<compile_context>
chip_gen: v7x
topology: tpu7x:2x2x1
jax: 0.10.2.dev20260603
libtpu: 0.0.44.dev20260713+nightly
codegen_flags: <defaults>
</compile_context>

<pallas_src>
import functools

import jax
import jax.numpy as jnp
from jax import lax
from jax.experimental import pallas as pl
from jax.experimental.pallas import tpu as pltpu
from jax.experimental.pallas import tpu_sc as plsc

NAA = 22
NATOM = 27
D0 = 32
K1 = 3
NEF = 32
TOPK = 24
MAXBONDS = 4
N = 6912
BLK = 256
NBLK = N // BLK
E = N * TOPK
TW = 128

SC_NC = 2
SC_NS = 16
SC_NW = SC_NC * SC_NS
EPW = E // SC_NW
SC_CH = 96
SC_NCH = EPW // SC_CH


def _knn_body(pos_ref, posT_ref, node0_ref, n1f_ref, W1_ref,
              nbr_ref, tab_ref, sc_ref):
    blk = pl.program_id(0)
    posb = pos_ref[...]
    posT = posT_ref[...]
    sq_rows = jnp.sum(posb * posb, axis=1, keepdims=True)
    sq_cols = jnp.sum(posT * posT, axis=0, keepdims=True)
    dots = jnp.dot(posb, posT, preferred_element_type=jnp.float32)
    d2 = sq_rows + sq_cols - 2.0 * dots
    row_g = blk * BLK + lax.broadcasted_iota(jnp.int32, (BLK, N), 0)
    col = lax.broadcasted_iota(jnp.int32, (BLK, N), 1)
    d2 = jnp.where(col == row_g, 1e9, d2)
    bits = lax.bitcast_convert_type(d2, jnp.int32)
    adj = jnp.minimum(jnp.maximum(bits, jnp.int32(0x34800000))
                      - jnp.int32(0x34800000), jnp.int32(0x0FFFFFFF))
    key = ((adj >> 10) << 13) | col
    sc_ref[...] = key
    for t in range(TOPK // 4):
        vals = sc_ref[...]
        for u in range(4):
            m = jnp.min(vals, axis=1, keepdims=True)
            nbr_ref[:, 4 * t + u:4 * t + u + 1] = m & jnp.int32(0x1FFF)
            vals = jnp.where(vals == m, jnp.int32(0x7FFFFFFF), vals)
        sc_ref[...] = vals
    p1 = jnp.dot(node0_ref[...], W1_ref[...], preferred_element_type=jnp.float32)
    rows = blk * BLK + lax.broadcasted_iota(jnp.int32, (BLK, 1), 0)
    tab_ref[:, 0:D0] = p1
    tab_ref[:, D0:D0 + 9] = n1f_ref[...]
    tab_ref[:, D0 + 9:D0 + 12] = posb
    tab_ref[:, D0 + 12:D0 + 13] = (rows % NATOM).astype(jnp.float32)
    tab_ref[:, D0 + 13:D0 + 14] = (rows // NATOM).astype(jnp.float32)
    tab_ref[:, D0 + 14:TW] = jnp.zeros((BLK, TW - D0 - 14), jnp.float32)


MBLK = 128
EB = MBLK * TOPK
MGRID = N // MBLK


def _msg_body(g_ref, brow_ref, pos_ref, node0_ref,
              Wm_ref, We_ref, Wc_ref, Wo_ref, st_ref, xyz_ref, s_ref, st_sref):
    blk = pl.program_id(0)
    @pl.when(blk == 0)
    def _():
        d_io = lax.broadcasted_iota(jnp.int32, (MBLK, EB), 0)
        e_io = lax.broadcasted_iota(jnp.int32, (MBLK, EB), 1)
        s_ref[...] = (e_io // TOPK == d_io).astype(jnp.float32)
        d_io2 = lax.broadcasted_iota(jnp.int32, (EB, MBLK), 1)
        e_io2 = lax.broadcasted_iota(jnp.int32, (EB, MBLK), 0)
        st_sref[...] = (e_io2 // TOPK == d_io2).astype(jnp.float32)

    S = s_ref[...]
    ST = st_sref[...]
    posd = pos_ref[...]
    W2 = Wm_ref[D0:2 * D0, :]
    W3 = Wm_ref[2 * D0:2 * D0 + NEF, :]
    w4 = Wm_ref[2 * D0 + NEF:2 * D0 + NEF + 1, :]
    P2 = jnp.dot(node0_ref[...], W2, preferred_element_type=jnp.float32)
    X = jnp.concatenate([P2, posd, brow_ref[...]], axis=1)
    Xe = jnp.dot(ST, X, preferred_element_type=jnp.float32)
    P2e = Xe[:, 0:D0]
    posde = Xe[:, D0:D0 + 3]
    browe = Xe[:, D0 + 3:D0 + 3 + NATOM]

    p1s = g_ref[:, 0:D0]
    n1 = g_ref[:, D0:D0 + 9]
    ps = g_ref[:, D0 + 9:D0 + 12]
    asrc = g_ref[:, D0 + 12:D0 + 13]
    rsrc = g_ref[:, D0 + 13:D0 + 14]
    e_glob = blk * EB + lax.broadcasted_iota(jnp.int32, (EB, 1), 0)
    rdst = ((e_glob // TOPK) // NATOM).astype(jnp.float32)
    same = rsrc == rdst

    rel = ps - posde
    dist = jnp.sqrt(jnp.sum(rel * rel, axis=1, keepdims=True) + 1e-5)
    rhat = rel / dist

    oh27 = (lax.broadcasted_iota(jnp.int32, (EB, NATOM), 1)
            == asrc.astype(jnp.int32))
    bval = jnp.sum(browe * oh27.astype(jnp.float32), axis=1, keepdims=True)
    b = jnp.where(same, bval, 0.0).astype(jnp.int32)
    oh5 = (lax.broadcasted_iota(jnp.int32, (EB, MAXBONDS + 1), 1) == b)
    embp = jnp.dot(oh5.astype(jnp.float32), We_ref[0:MAXBONDS + 1, :],
                   preferred_element_type=jnp.float32)
    emb = jnp.maximum(embp + dist * We_ref[MAXBONDS + 1:MAXBONDS + 2, :], 0.0)
    h = p1s + P2e + jnp.dot(emb, W3, preferred_element_type=jnp.float32) \
        + dist * w4
    h = jnp.maximum(h, 0.0)
    coef = jnp.dot(h, Wc_ref[...], preferred_element_type=jnp.float32)
    m1 = coef[:, 0:1] * rhat
    for j in range(K1):
        m1 = m1 + coef[:, j + 1:j + 2] * n1[:, j * 3:(j + 1) * 3]
    Y = jnp.concatenate([h, m1], axis=1)
    agg = jnp.dot(S, Y, preferred_element_type=jnp.float32)
    st_ref[...] = jnp.dot(agg[:, 0:D0], Wo_ref[...],
                          preferred_element_type=jnp.float32)
    xyz_ref[...] = posd + agg[:, D0:D0 + 3] / 100.0


def _make_sc_gather():
    mesh = plsc.VectorSubcoreMesh(core_axis_name="c", subcore_axis_name="s")

    @functools.partial(
        pl.kernel, mesh=mesh,
        out_type=jax.ShapeDtypeStruct((E, TW), jnp.float32),
        scratch_types=[
            pltpu.VMEM((EPW,), jnp.int32),
            pltpu.VMEM((SC_CH, TW), jnp.float32),
            pltpu.VMEM((SC_CH, TW), jnp.float32),
            pltpu.SemaphoreType.DMA,
            pltpu.SemaphoreType.DMA,
        ],
    )
    def sc_gather(idx_hbm, tab_hbm, out_hbm, idx_v, rows0, rows1, sem0, sem1):
        wid = lax.axis_index("s") * SC_NC + lax.axis_index("c")
        base = wid * EPW
        pltpu.sync_copy(idx_hbm.at[pl.ds(base, EPW)], idx_v)
        pltpu.async_copy(tab_hbm.at[idx_v.at[pl.ds(0, SC_CH)]], rows0, sem0)

        def body(t, carry):
            c0 = 2 * t
            pltpu.async_copy(
                tab_hbm.at[idx_v.at[pl.ds((c0 + 1) * SC_CH, SC_CH)]],
                rows1, sem1)
            pltpu.make_async_copy(tab_hbm.at[idx_v.at[pl.ds(0, SC_CH)]],
                                  rows0, sem0).wait()
            pltpu.sync_copy(rows0, out_hbm.at[pl.ds(base + c0 * SC_CH, SC_CH)])

            @pl.when(t + 1 < SC_NCH // 2)
            def _():
                pltpu.async_copy(
                    tab_hbm.at[idx_v.at[pl.ds((c0 + 2) * SC_CH, SC_CH)]],
                    rows0, sem0)

            pltpu.make_async_copy(tab_hbm.at[idx_v.at[pl.ds(0, SC_CH)]],
                                  rows1, sem1).wait()
            pltpu.sync_copy(rows1, out_hbm.at[pl.ds(base + (c0 + 1) * SC_CH, SC_CH)])
            return carry

        lax.fori_loop(0, SC_NCH // 2, body, 0)

    return sc_gather


def kernel(seq, xyz, aamask, num_bonds, state, grads, top_k,
           W_edge, W_msg0, W_out0, W_coef):
    B, L, A = xyz.shape[:3]
    pos = xyz.reshape(N, 3)
    posT = pos.T
    node0 = state.reshape(N, D0)
    n1f = grads.transpose(1, 2, 3, 0, 4).reshape(N, K1 * 3)
    brow = num_bonds[seq.reshape(-1)].reshape(N, NATOM)
    W1 = W_msg0[0:D0, :]

    nbr, tab = pl.pallas_call(
        _knn_body,
        grid=(NBLK,),
        in_specs=[
            pl.BlockSpec((BLK, 3), lambda i: (i, 0)),
            pl.BlockSpec((3, N), lambda i: (0, 0)),
            pl.BlockSpec((BLK, D0), lambda i: (i, 0)),
            pl.BlockSpec((BLK, K1 * 3), lambda i: (i, 0)),
            pl.BlockSpec((D0, D0), lambda i: (0, 0)),
        ],
        out_specs=[
            pl.BlockSpec((BLK, TOPK), lambda i: (i, 0)),
            pl.BlockSpec((BLK, TW), lambda i: (i, 0)),
        ],
        out_shape=[
            jax.ShapeDtypeStruct((N, TOPK), jnp.int32),
            jax.ShapeDtypeStruct((N, TW), jnp.float32),
        ],
        scratch_shapes=[pltpu.VMEM((BLK, N), jnp.int32)],
    )(pos, posT, node0, n1f, W1)

    gathered = _make_sc_gather()(nbr.reshape(-1), tab)

    st_out, xyz_out = pl.pallas_call(
        _msg_body,
        grid=(MGRID,),
        in_specs=[
            pl.BlockSpec((EB, TW), lambda i: (i, 0)),
            pl.BlockSpec((MBLK, NATOM), lambda i: (i, 0)),
            pl.BlockSpec((MBLK, 3), lambda i: (i, 0)),
            pl.BlockSpec((MBLK, D0), lambda i: (i, 0)),
            pl.BlockSpec((2 * D0 + NEF + 1, D0), lambda i: (0, 0)),
            pl.BlockSpec((MAXBONDS + 2, NEF), lambda i: (0, 0)),
            pl.BlockSpec((D0, 1 + K1), lambda i: (0, 0)),
            pl.BlockSpec((D0, D0), lambda i: (0, 0)),
        ],
        out_specs=[
            pl.BlockSpec((MBLK, D0), lambda i: (i, 0)),
            pl.BlockSpec((MBLK, 3), lambda i: (i, 0)),
        ],
        out_shape=[
            jax.ShapeDtypeStruct((N, D0), jnp.float32),
            jax.ShapeDtypeStruct((N, 3), jnp.float32),
        ],
        scratch_shapes=[pltpu.VMEM((MBLK, EB), jnp.float32),
                        pltpu.VMEM((EB, MBLK), jnp.float32)],
    )(gathered, brow.astype(jnp.float32), pos, node0,
      W_msg0, W_edge, W_coef, W_out0)

    return xyz_out.reshape(xyz.shape), st_out.reshape(state.shape)

# --- scband reference (transcript-rebuilt; emitter-appended) ---
"""Pipeline reference for scband-allatom2-allatom-42356967473476 (READ-ONLY COPY).

The authoritative reference and input builder live on the scoring server;
editing this copy changes nothing except your own understanding.
"""

import jax, jax.numpy as jnp
import numpy as np

NAA = 22
NATOM = 27
BATCH = 1
LRES = 256
D0 = 32
K1 = 3
MAXBONDS = 4
NEF = 32
TOPK = 24


def setup_inputs(seed: int = 0):
    key = jax.random.key(seed)
    ks = jax.random.split(key, 10)
    seq = jax.random.randint(ks[0], (BATCH, LRES), 0, NAA)
    xyz = jax.random.normal(ks[1], (BATCH, LRES, NATOM, 3), dtype=jnp.float32) * 3.0
    aamask = jnp.ones((NAA, NATOM), dtype=bool)
    num_bonds = jax.random.randint(ks[2], (NAA, NATOM, NATOM), 0, MAXBONDS + 1)
    state = jax.random.normal(ks[3], (BATCH, LRES, NATOM, D0), dtype=jnp.float32)
    grads = jax.random.normal(ks[4], (K1, BATCH, LRES, NATOM, 3), dtype=jnp.float32)
    s = 0.1
    W_edge = jax.random.normal(ks[5], (MAXBONDS + 2, NEF), dtype=jnp.float32) * s
    W_msg0 = jax.random.normal(ks[6], (2 * D0 + NEF + 1, D0), dtype=jnp.float32) * s
    W_out0 = jax.random.normal(ks[7], (D0, D0), dtype=jnp.float32) * s
    W_coef = jax.random.normal(ks[8], (D0, 1 + K1), dtype=jnp.float32) * s
    return {"seq": seq, "xyz": xyz, "aamask": aamask, "num_bonds": num_bonds,
            "state": state, "grads": grads, "top_k": TOPK,
            "W_edge": W_edge, "W_msg0": W_msg0, "W_out0": W_out0, "W_coef": W_coef}


def _forward(xyz, state, grads, W_edge, W_msg0, W_out0, W_coef,
             seq, aamask, num_bonds, top_k, eps=1e-5):
    B, L, A = xyz.shape[:3]
    mask = aamask[seq]
    mask_flat = mask.reshape(-1)
    keep = mask_flat.astype(xyz.dtype)
    idx_atoms = jnp.arange(B * L * A)
    pos = xyz.reshape(B * L * A, 3) * keep[:, None]
    node0 = state.reshape(B * L * A, -1) * keep[:, None]
    node1 = grads.reshape(grads.shape[0], B * L * A, 3).transpose(1, 0, 2) * keep[:, None, None]
    res_id = idx_atoms // A
    atom_id = idx_atoms % A
    seq_atom = jnp.broadcast_to(seq[:, :, None], (B, L, A)).reshape(-1)
    N = pos.shape[0]
    sq = jnp.sum(pos * pos, axis=1)
    D2 = sq[:, None] + sq[None, :] - 2.0 * (pos @ pos.T)
    D2 = jnp.maximum(D2, 0.0)
    D2 = D2 + (jnp.asarray(top_k) - TOPK)
    ar = jnp.arange(N)
    D2 = D2.at[ar, ar].set(1e9)
    _, nbr = jax.lax.top_k(-D2, TOPK)
    dst = jnp.repeat(ar, TOPK)
    src = nbr.reshape(-1)
    rel = pos[src] - pos[dst]
    dist = jnp.sqrt(jnp.sum(rel * rel, axis=1) + eps)
    rhat = rel / dist[:, None]
    same_res = res_id[src] == res_id[dst]
    b = jnp.where(same_res, num_bonds[seq_atom[dst], atom_id[dst], atom_id[src]], 0)
    b = jnp.clip(b, 0, MAXBONDS)
    edge_raw = jnp.concatenate([jax.nn.one_hot(b, MAXBONDS + 1, dtype=pos.dtype), dist[:, None]], axis=1)
    edge_emb = jax.nn.relu(edge_raw @ W_edge)
    msg_in = jnp.concatenate([node0[src], node0[dst], edge_emb, dist[:, None]], axis=1)
    h = jax.nn.relu(msg_in @ W_msg0)
    agg0 = jax.ops.segment_sum(h, dst, num_segments=N)
    shift0 = agg0 @ W_out0
    coef = h @ W_coef
    a = coef[:, :1]
    bcoef = coef[:, 1:]
    m1 = a * rhat + jnp.einsum("ek,ekd->ed", bcoef, node1[src])
    shift1 = jax.ops.segment_sum(m1, dst, num_segments=N)
    state_new = state.reshape(B * L * A, -1).at[idx_atoms].set(shift0).reshape(state.shape)
    xyz_new = xyz.reshape(B * L * A, 3).at[idx_atoms].set(pos + shift1 / 100.0).reshape(xyz.shape)
    return xyz_new, state_new


def reference(seq, xyz, aamask, num_bonds, state, grads, top_k, W_edge, W_msg0, W_out0, W_coef):
    return _forward(xyz, state, grads, W_edge, W_msg0, W_out0, W_coef,
                    seq, aamask, num_bonds, top_k)

if __name__ == "__main__":
    import jax
    _d = setup_inputs()
    print(jax.jit(kernel)(*tuple(_d.values())))

</pallas_src>

<mosaic_0001>
#map = affine_map<(d0, d1) -> (0)>
#map1 = affine_map<(d0, d1) -> (0, 0)>
module attributes {stable_mosaic.version = 14 : i64} {
  func.func @sc_gather(%arg0: i32, %arg1: i32, %arg2: memref<165888xi32, #tpu.memory_space<hbm>>, %arg3: memref<6912x128xf32, #tpu.memory_space<hbm>>, %arg4: memref<165888x128xf32, #tpu.memory_space<hbm>>, %arg5: memref<5184xi32, #tpu.memory_space<vmem>>, %arg6: memref<96x128xf32, #tpu.memory_space<vmem>>, %arg7: memref<96x128xf32, #tpu.memory_space<vmem>>, %arg8: memref<!tpu.dma_semaphore, #tpu.memory_space<semaphore_mem>>, %arg9: memref<!tpu.dma_semaphore, #tpu.memory_space<semaphore_mem>>) attributes {dimension_semantics = [#tpu.dimension_semantics<core_parallel>, #tpu.dimension_semantics<subcore_parallel>], iteration_bounds = array<i64: 2, 16>, scalar_prefetch = 0 : i64, scratch_operands = 5 : i64, tpu.core_type = #tpu.core_type<sc_vector_subcore>, window_params = [{transform_indices = #map}, {transform_indices = #map1}, {transform_indices = #map1}]} {
    %mul3A = arith.constant 2 : i32
    %mul3A_0 = arith.muli %arg1, %mul3A : i32
    %add3A = arith.addi %mul3A_0, %arg0 : i32
    %mul3A_1 = arith.constant 5184 : i32
    %mul3A_2 = arith.muli %add3A, %mul3A_1 : i32
    "tpu.region"() ({
      %run_scoped3A = tpu.sem_alloc : memref<!tpu.dma_semaphore, #tpu.memory_space<semaphore_mem>>
      %dma_start3A_12 = tpu.memref_slice %arg2[%mul3A_2] : memref<165888xi32, #tpu.memory_space<hbm>> -> memref<5184xi32, #tpu.memory_space<hbm>>
      %dma_start3A_13 = tpu.memref_slice %arg2[%mul3A_2] : memref<165888xi32, #tpu.memory_space<hbm>> -> memref<5184xi32, #tpu.memory_space<hbm>>
      tpu.enqueue_dma source(%dma_start3A_13 : memref<5184xi32, #tpu.memory_space<hbm>>) target(%arg5 : memref<5184xi32, #tpu.memory_space<vmem>>) target_semaphore(%run_scoped3A : memref<!tpu.dma_semaphore, #tpu.memory_space<semaphore_mem>>)
      %dma_wait3A = tpu.memref_slice %arg2[%mul3A_2] : memref<165888xi32, #tpu.memory_space<hbm>> -> memref<5184xi32, #tpu.memory_space<hbm>>
      %dma_wait3A_14 = tpu.memref_slice %arg2[%mul3A_2] : memref<165888xi32, #tpu.memory_space<hbm>> -> memref<5184xi32, #tpu.memory_space<hbm>>
      tpu.wait_dma2 semaphore(%run_scoped3A : memref<!tpu.dma_semaphore, #tpu.memory_space<semaphore_mem>>) src(%dma_wait3A_14 : memref<5184xi32, #tpu.memory_space<hbm>>) dst(%arg5 : memref<5184xi32, #tpu.memory_space<vmem>>)
      tpu.yield
    }) : () -> ()
    %dma_start3A = arith.constant 0 : i32
    %dma_start3A_3 = tpu.memref_slice %arg5[%dma_start3A] : memref<5184xi32, #tpu.memory_space<vmem>> -> memref<96xi32, #tpu.memory_space<vmem>>
    %dma_start3A_4 = arith.constant 0 : i32
    %dma_start3A_5 = arith.constant 0 : i32
    %dma_start3A_6 = tpu.memref_slice %arg3[%dma_start3A_4, %dma_start3A_5] : memref<6912x128xf32, #tpu.memory_space<hbm>> -> memref<6912x128xf32, #tpu.memory_space<hbm>>
    tpu.enqueue_indirect_dma source(%dma_start3A_6 : memref<6912x128xf32, #tpu.memory_space<hbm>>) target(%arg6 : memref<96x128xf32, #tpu.memory_space<vmem>>) offsets(%dma_start3A_3 : memref<96xi32, #tpu.memory_space<vmem>>) semaphore(%arg8 : memref<!tpu.dma_semaphore, #tpu.memory_space<semaphore_mem>>)
    %scan3A = arith.constant 0 : i32
    %scan3A_7 = arith.constant 0 : i32
    %scan3A_8 = arith.constant 27 : i32
    %scan3A_9 = arith.addi %scan3A_7, %scan3A_8 : i32
    %scan3A_10 = arith.constant 1 : i32
    scf.for %scan3A_12 = %scan3A_7 to %scan3A_9 step %scan3A_10  : i32 {
      %mul3A_13 = arith.constant 2 : i32
      %mul3A_14 = arith.muli %mul3A_13, %scan3A_12 : i32
      %add3A_15 = arith.constant 1 : i32
      %add3A_16 = arith.addi %mul3A_14, %add3A_15 : i32
      %mul3A_17 = arith.constant 96 : i32
      %mul3A_18 = arith.muli %add3A_16, %mul3A_17 : i32
      %dma_start3A_19 = tpu.memref_slice %arg5[%mul3A_18] : memref<5184xi32, #tpu.memory_space<vmem>> -> memref<96xi32, #tpu.memory_space<vmem>>
      %dma_start3A_20 = arith.constant 0 : i32
      %dma_start3A_21 = arith.constant 0 : i32
      %dma_start3A_22 = tpu.memref_slice %arg3[%dma_start3A_20, %dma_start3A_21] : memref<6912x128xf32, #tpu.memory_space<hbm>> -> memref<6912x128xf32, #tpu.memory_space<hbm>>
      tpu.enqueue_indirect_dma source(%dma_start3A_22 : memref<6912x128xf32, #tpu.memory_space<hbm>>) target(%arg7 : memref<96x128xf32, #tpu.memory_space<vmem>>) offsets(%dma_start3A_19 : memref<96xi32, #tpu.memory_space<vmem>>) semaphore(%arg9 : memref<!tpu.dma_semaphore, #tpu.memory_space<semaphore_mem>>)
      %dma_wait3A = arith.constant 0 : i32
      %dma_wait3A_23 = tpu.memref_slice %arg5[%dma_wait3A] : memref<5184xi32, #tpu.memory_space<vmem>> -> memref<96xi32, #tpu.memory_space<vmem>>
      %dma_wait3A_24 = arith.constant 0 : i32
      %dma_wait3A_25 = arith.constant 0 : i32
      %dma_wait3A_26 = tpu.memref_slice %arg3[%dma_wait3A_24, %dma_wait3A_25] : memref<6912x128xf32, #tpu.memory_space<hbm>> -> memref<6912x128xf32, #tpu.memory_space<hbm>>
      tpu.wait_indirect_dma semaphore(%arg8 : memref<!tpu.dma_semaphore, #tpu.memory_space<semaphore_mem>>) src(%dma_wait3A_26 : memref<6912x128xf32, #tpu.memory_space<hbm>>) dst(%arg6 : memref<96x128xf32, #tpu.memory_space<vmem>>)
      %mul3A_27 = arith.constant 96 : i32
      %mul3A_28 = arith.muli %mul3A_14, %mul3A_27 : i32
      %add3A_29 = arith.addi %mul3A_2, %mul3A_28 : i32
      "tpu.region"() ({
        %run_scoped3A = tpu.sem_alloc : memref<!tpu.dma_semaphore, #tpu.memory_space<semaphore_mem>>
        %dma_start3A_44 = arith.constant 0 : i32
        %dma_start3A_45 = tpu.memref_slice %arg4[%add3A_29, %dma_start3A_44] : memref<165888x128xf32, #tpu.memory_space<hbm>> -> memref<96x128xf32, #tpu.memory_space<hbm>>
        %dma_start3A_46 = arith.constant 0 : i32
        %dma_start3A_47 = tpu.memref_slice %arg4[%add3A_29, %dma_start3A_46] : memref<165888x128xf32, #tpu.memory_space<hbm>> -> memref<96x128xf32, #tpu.memory_space<hbm>>
        tpu.enqueue_dma source(%arg6 : memref<96x128xf32, #tpu.memory_space<vmem>>) target(%dma_start3A_47 : memref<96x128xf32, #tpu.memory_space<hbm>>) target_semaphore(%run_scoped3A : memref<!tpu.dma_semaphore, #tpu.memory_space<semaphore_mem>>)
        %dma_wait3A_48 = arith.constant 0 : i32
        %dma_wait3A_49 = tpu.memref_slice %arg4[%add3A_29, %dma_wait3A_48] : memref<165888x128xf32, #tpu.memory_space<hbm>> -> memref<96x128xf32, #tpu.memory_space<hbm>>
        %dma_wait3A_50 = arith.constant 0 : i32
        %dma_wait3A_51 = tpu.memref_slice %arg4[%add3A_29, %dma_wait3A_50] : memref<165888x128xf32, #tpu.memory_space<hbm>> -> memref<96x128xf32, #tpu.memory_space<hbm>>
        tpu.wait_dma2 semaphore(%run_scoped3A : memref<!tpu.dma_semaphore, #tpu.memory_space<semaphore_mem>>) src(%arg6 : memref<96x128xf32, #tpu.memory_space<vmem>>) dst(%dma_wait3A_51 : memref<96x128xf32, #tpu.memory_space<hbm>>)
        tpu.yield
      }) : () -> ()
      %add3A_30 = arith.constant 1 : i32
      %add3A_31 = arith.addi %scan3A_12, %add3A_30 : i32
      %lt3A = arith.constant 27 : i32
      %lt3A_32 = arith.cmpi slt, %add3A_31, %lt3A : i32
      %convert_element_type3A = arith.extui %lt3A_32 : i1 to i32
      %cond3A = arith.constant 0 : i32
      %cond3A_33 = arith.cmpi ne, %convert_element_type3A, %cond3A : i32
      scf.if %cond3A_33 {
        %add3A_44 = arith.constant 2 : i32
        %add3A_45 = arith.addi %mul3A_14, %add3A_44 : i32
        %mul3A_46 = arith.constant 96 : i32
        %mul3A_47 = arith.muli %add3A_45, %mul3A_46 : i32
        %dma_start3A_48 = tpu.memref_slice %arg5[%mul3A_47] : memref<5184xi32, #tpu.memory_space<vmem>> -> memref<96xi32, #tpu.memory_space<vmem>>
        %dma_start3A_49 = arith.constant 0 : i32
        %dma_start3A_50 = arith.constant 0 : i32
        %dma_start3A_51 = tpu.memref_slice %arg3[%dma_start3A_49, %dma_start3A_50] : memref<6912x128xf32, #tpu.memory_space<hbm>> -> memref<6912x128xf32, #tpu.memory_space<hbm>>
        tpu.enqueue_indirect_dma source(%dma_start3A_51 : memref<6912x128xf32, #tpu.memory_space<hbm>>) target(%arg6 : memref<96x128xf32, #tpu.memory_space<vmem>>) offsets(%dma_start3A_48 : memref<96xi32, #tpu.memory_space<vmem>>) semaphore(%arg8 : memref<!tpu.dma_semaphore, #tpu.memory_space<semaphore_mem>>)
      } else {
      }
      %dma_wait3A_34 = arith.constant 0 : i32
      %dma_wait3A_35 = tpu.memref_slice %arg5[%dma_wait3A_34] : memref<5184xi32, #tpu.memory_space<vmem>> -> memref<96xi32, #tpu.memory_space<vmem>>
      %dma_wait3A_36 = arith.constant 0 : i32
      %dma_wait3A_37 = arith.constant 0 : i32
      %dma_wait3A_38 = tpu.memref_slice %arg3[%dma_wait3A_36, %dma_wait3A_37] : memref<6912x128xf32, #tpu.memory_space<hbm>> -> memref<6912x128xf32, #tpu.memory_space<hbm>>
      tpu.wait_indirect_dma semaphore(%arg9 : memref<!tpu.dma_semaphore, #tpu.memory_space<semaphore_mem>>) src(%dma_wait3A_38 : memref<6912x128xf32, #tpu.memory_space<hbm>>) dst(%arg7 : memref<96x128xf32, #tpu.memory_space<vmem>>)
      %add3A_39 = arith.constant 1 : i32
      %add3A_40 = arith.addi %mul3A_14, %add3A_39 : i32
      %mul3A_41 = arith.constant 96 : i32
      %mul3A_42 = arith.muli %add3A_40, %mul3A_41 : i32
      %add3A_43 = arith.addi %mul3A_2, %mul3A_42 : i32
      "tpu.region"() ({
        %run_scoped3A = tpu.sem_alloc : memref<!tpu.dma_semaphore, #tpu.memory_space<semaphore_mem>>
        %dma_start3A_44 = arith.constant 0 : i32
        %dma_start3A_45 = tpu.memref_slice %arg4[%add3A_43, %dma_start3A_44] : memref<165888x128xf32, #tpu.memory_space<hbm>> -> memref<96x128xf32, #tpu.memory_space<hbm>>
        %dma_start3A_46 = arith.constant 0 : i32
        %dma_start3A_47 = tpu.memref_slice %arg4[%add3A_43, %dma_start3A_46] : memref<165888x128xf32, #tpu.memory_space<hbm>> -> memref<96x128xf32, #tpu.memory_space<hbm>>
        tpu.enqueue_dma source(%arg7 : memref<96x128xf32, #tpu.memory_space<vmem>>) target(%dma_start3A_47 : memref<96x128xf32, #tpu.memory_space<hbm>>) target_semaphore(%run_scoped3A : memref<!tpu.dma_semaphore, #tpu.memory_space<semaphore_mem>>)
        %dma_wait3A_48 = arith.constant 0 : i32
        %dma_wait3A_49 = tpu.memref_slice %arg4[%add3A_43, %dma_wait3A_48] : memref<165888x128xf32, #tpu.memory_space<hbm>> -> memref<96x128xf32, #tpu.memory_space<hbm>>
        %dma_wait3A_50 = arith.constant 0 : i32
        %dma_wait3A_51 = tpu.memref_slice %arg4[%add3A_43, %dma_wait3A_50] : memref<165888x128xf32, #tpu.memory_space<hbm>> -> memref<96x128xf32, #tpu.memory_space<hbm>>
        tpu.wait_dma2 semaphore(%run_scoped3A : memref<!tpu.dma_semaphore, #tpu.memory_space<semaphore_mem>>) src(%arg7 : memref<96x128xf32, #tpu.memory_space<vmem>>) dst(%dma_wait3A_51 : memref<96x128xf32, #tpu.memory_space<hbm>>)
        tpu.yield
      }) : () -> ()
    }
    %scan3A_11 = arith.constant 27 : i32
    return
  }
}

module attributes {stable_mosaic.version = 14 : i64} {
  func.func @_knn_body(%arg0: i32, %arg1: memref<256x3xf32, #tpu.memory_space<vmem>>, %arg2: memref<3x6912xf32, #tpu.memory_space<vmem>>, %arg3: memref<256x32xf32, #tpu.memory_space<vmem>>, %arg4: memref<256x9xf32, #tpu.memory_space<vmem>>, %arg5: memref<32x32xf32, #tpu.memory_space<vmem>>, %arg6: memref<256x24xi32, #tpu.memory_space<vmem>>, %arg7: memref<256x128xf32, #tpu.memory_space<vmem>>, %arg8: memref<256x6912xi32, #tpu.memory_space<vmem>>) attributes {dimension_semantics = [#tpu.dimension_semantics<arbitrary>], iteration_bounds = array<i64: 27>, scalar_prefetch = 0 : i64, scratch_operands = 1 : i64, tpu.core_type = #tpu.core_type<tc>, window_params = [{transform_indices = @transform_0, window_bounds = array<i64: 256, 3>}, {pipeline_mode = #tpu.pipeline_mode<synchronous>, transform_indices = @transform_1, window_bounds = array<i64: 3, 6912>}, {transform_indices = @transform_2, window_bounds = array<i64: 256, 32>}, {transform_indices = @transform_3, window_bounds = array<i64: 256, 9>}, {pipeline_mode = #tpu.pipeline_mode<synchronous>, transform_indices = @transform_4, window_bounds = array<i64: 32, 32>}, {transform_indices = @transform_5, window_bounds = array<i64: 256, 24>}, {transform_indices = @transform_6, window_bounds = array<i64: 256, 128>}]} {
    %get3A = arith.constant 0 : index
    %get3A_0 = arith.constant 0 : index
    %get3A_1 = vector.load %arg1[%get3A, %get3A_0] : memref<256x3xf32, #tpu.memory_space<vmem>>, vector<256x3xf32>
    %get3A_2 = arith.constant 0 : index
    %get3A_3 = arith.constant 0 : index
    %get3A_4 = vector.load %arg2[%get3A_2, %get3A_3] : memref<3x6912xf32, #tpu.memory_space<vmem>>, vector<3x6912xf32>
    %mul3A = arith.mulf %get3A_1, %get3A_1 : vector<256x3xf32>
    %reduce_sum3A = arith.constant dense<0.000000e+00> : vector<256xf32>
    %reduce_sum3A_5 = vector.multi_reduction <add>, %mul3A, %reduce_sum3A [1] : vector<256x3xf32> to vector<256xf32>
    %broadcast_in_dim3A = vector.shape_cast %reduce_sum3A_5 : vector<256xf32> to vector<256x1xf32>
    %mul3A_6 = arith.mulf %get3A_4, %get3A_4 : vector<3x6912xf32>
    %reduce_sum3A_7 = arith.constant dense<0.000000e+00> : vector<6912xf32>
    %reduce_sum3A_8 = vector.multi_reduction <add>, %mul3A_6, %reduce_sum3A_7 [0] : vector<3x6912xf32> to vector<6912xf32>
    %broadcast_in_dim3A_9 = vector.shape_cast %reduce_sum3A_8 : vector<6912xf32> to vector<1x6912xf32>
    %dot_general3A = arith.constant dense<0.000000e+00> : vector<256x6912xf32>
    %dot_general3A_10 = tpu.matmul %get3A_1, %get3A_4, %dot_general3A {dimension_numbers = #tpu.dot_dimension_numbers<[1], [0], [0], [1], [0, 0, 1, 1], [], []>, transpose_lhs_hint = false} : vector<256x3xf32>, vector<3x6912xf32>, vector<256x6912xf32> -> vector<256x6912xf32>
    %add3A = vector.broadcast %broadcast_in_dim3A : vector<256x1xf32> to vector<256x6912xf32>
    %add3A_11 = vector.broadcast %broadcast_in_dim3A_9 : vector<1x6912xf32> to vector<256x6912xf32>
    %add3A_12 = arith.addf %add3A, %add3A_11 : vector<256x6912xf32>
    %mul3A_13 = arith.constant 2.000000e+00 : f32
    %mul3A_14 = vector.broadcast %mul3A_13 : f32 to vector<256x6912xf32>
    %mul3A_15 = arith.mulf %mul3A_14, %dot_general3A_10 : vector<256x6912xf32>
    %sub3A = arith.subf %add3A_12, %mul3A_15 : vector<256x6912xf32>
    %mul3A_16 = arith.constant 256 : i32
    %mul3A_17 = arith.muli %arg0, %mul3A_16 : i32
    %iota3A = tpu.iota {dimensions = array<i32: 0>} : vector<256x6912xi32>
    %add3A_18 = vector.broadcast %mul3A_17 : i32 to vector<256x6912xi32>
    %add3A_19 = arith.addi %add3A_18, %iota3A : vector<256x6912xi32>
    %iota3A_20 = tpu.iota {dimensions = array<i32: 1>} : vector<256x6912xi32>
    %eq3A = arith.cmpi eq, %iota3A_20, %add3A_19 : vector<256x6912xi32>
    %jit3A = arith.constant 1.000000e+09 : f32
    %broadcast_in_dim3A_21 = vector.broadcast %jit3A : f32 to vector<256x6912xf32>
    %select_n3A = arith.select %eq3A, %broadcast_in_dim3A_21, %sub3A : vector<256x6912xi1>, vector<256x6912xf32>
    %bitcast_convert_type3A = tpu.bitcast %select_n3A : vector<256x6912xf32> -> vector<256x6912xi32>
    %max3A = arith.constant 880803840 : i32
    %max3A_22 = vector.broadcast %max3A : i32 to vector<256x6912xi32>
    %max3A_23 = arith.maxsi %bitcast_convert_type3A, %max3A_22 : vector<256x6912xi32>
    %sub3A_24 = arith.constant 880803840 : i32
    %sub3A_25 = vector.broadcast %sub3A_24 : i32 to vector<256x6912xi32>
    %sub3A_26 = arith.subi %max3A_23, %sub3A_25 : vector<256x6912xi32>
    %min3A = arith.constant 268435455 : i32
    %min3A_27 = vector.broadcast %min3A : i32 to vector<256x6912xi32>
    %min3A_28 = arith.minsi %sub3A_26, %min3A_27 : vector<256x6912xi32>
    %shift_right_arithmetic3A = arith.constant 10 : i32
    %shift_right_arithmetic3A_29 = vector.broadcast %shift_right_arithmetic3A : i32 to vector<256x6912xi32>
    %shift_right_arithmetic3A_30 = arith.shrsi %min3A_28, %shift_right_arithmetic3A_29 : vector<256x6912xi32>
    %shift_left3A = arith.constant 13 : i32
    %shift_left3A_31 = vector.broadcast %shift_left3A : i32 to vector<256x6912xi32>
    %shift_left3A_32 = arith.shli %shift_right_arithmetic3A_30, %shift_left3A_31 : vector<256x6912xi32>
    %or3A = arith.ori %shift_left3A_32, %iota3A_20 : vector<256x6912xi32>
    %swap3A = arith.constant 0 : index
    %swap3A_33 = arith.constant 0 : index
    %swap3A_34 = vector.load %arg8[%swap3A, %swap3A_33] : memref<256x6912xi32, #tpu.memory_space<vmem>>, vector<256x6912xi32>
    tpu.vector_store %arg8[%swap3A, %swap3A_33], %or3A {strides = array<i32>} : memref<256x6912xi32, #tpu.memory_space<vmem>>, vector<256x6912xi32>,
    %get3A_35 = arith.constant 0 : index
    %get3A_36 = arith.constant 0 : index
    %get3A_37 = vector.load %arg8[%get3A_35, %get3A_36] : memref<256x6912xi32, #tpu.memory_space<vmem>>, vector<256x6912xi32>
    %reduce_min3A = arith.constant dense<2147483647> : vector<256xi32>
    %reduce_min3A_38 = vector.multi_reduction <minsi>, %get3A_37, %reduce_min3A [1] : vector<256x6912xi32> to vector<256xi32>
    %broadcast_in_dim3A_39 = vector.shape_cast %reduce_min3A_38 : vector<256xi32> to vector<256x1xi32>
    %and3A = arith.constant 8191 : i32
    %and3A_40 = vector.broadcast %and3A : i32 to vector<256x1xi32>
    %and3A_41 = arith.andi %broadcast_in_dim3A_39, %and3A_40 : vector<256x1xi32>
    %swap3A_42 = arith.constant 0 : index
    %swap3A_43 = arith.constant 0 : index
    %swap3A_44 = vector.load %arg6[%swap3A_42, %swap3A_43] : memref<256x24xi32, #tpu.memory_space<vmem>>, vector<256x1xi32>
    tpu.vector_store %arg6[%swap3A_42, %swap3A_43], %and3A_41 {strides = array<i32>} : memref<256x24xi32, #tpu.memory_space<vmem>>, vector<256x1xi32>,
    %eq3A_45 = vector.broadcast %broadcast_in_dim3A_39 : vector<256x1xi32> to vector<256x6912xi32>
    %eq3A_46 = arith.cmpi eq, %get3A_37, %eq3A_45 : vector<256x6912xi32>
    %jit3A_47 = arith.constant 2147483647 : i32
    %broadcast_in_dim3A_48 = vector.broadcast %jit3A_47 : i32 to vector<256x6912xi32>
    %select_n3A_49 = arith.select %eq3A_46, %broadcast_in_dim3A_48, %get3A_37 : vector<256x6912xi1>, vector<256x6912xi32>
    %reduce_min3A_50 = arith.constant dense<2147483647> : vector<256xi32>
    %reduce_min3A_51 = vector.multi_reduction <minsi>, %select_n3A_49, %reduce_min3A_50 [1] : vector<256x6912xi32> to vector<256xi32>
    %broadcast_in_dim3A_52 = vector.shape_cast %reduce_min3A_51 : vector<256xi32> to vector<256x1xi32>
    %and3A_53 = arith.constant 8191 : i32
    %and3A_54 = vector.broadcast %and3A_53 : i32 to vector<256x1xi32>
    %and3A_55 = arith.andi %broadcast_in_dim3A_52, %and3A_54 : vector<256x1xi32>
    %swap3A_56 = arith.constant 0 : index
    %swap3A_57 = arith.constant 1 : index
    %swap3A_58 = vector.load %arg6[%swap3A_56, %swap3A_57] : memref<256x24xi32, #tpu.memory_space<vmem>>, vector<256x1xi32>
    tpu.vector_store %arg6[%swap3A_56, %swap3A_57], %and3A_55 {strides = array<i32>} : memref<256x24xi32, #tpu.memory_space<vmem>>, vector<256x1xi32>,
    %eq3A_59 = vector.broadcast %broadcast_in_dim3A_52 : vector<256x1xi32> to vector<256x6912xi32>
    %eq3A_60 = arith.cmpi eq, %select_n3A_49, %eq3A_59 : vector<256x6912xi32>
    %jit3A_61 = arith.constant 2147483647 : i32
    %broadcast_in_dim3A_62 = vector.broadcast %jit3A_61 : i32 to vector<256x6912xi32>
    %select_n3A_63 = arith.select %eq3A_60, %broadcast_in_dim3A_62, %select_n3A_49 : vector<256x6912xi1>, vector<256x6912xi32>
    %reduce_min3A_64 = arith.constant dense<2147483647> : vector<256xi32>
    %reduce_min3A_65 = vector.multi_reduction <minsi>, %select_n3A_63, %reduce_min3A_64 [1] : vector<256x6912xi32> to vector<256xi32>
    %broadcast_in_dim3A_66 = vector.shape_cast %reduce_min3A_65 : vector<256xi32> to vector<256x1xi32>
    %and3A_67 = arith.constant 8191 : i32
    %and3A_68 = vector.broadcast %and3A_67 : i32 to vector<256x1xi32>
    %and3A_69 = arith.andi %broadcast_in_dim3A_66, %and3A_68 : vector<256x1xi32>
    %swap3A_70 = arith.constant 0 : index
    %swap3A_71 = arith.constant 2 : index
    %swap3A_72 = vector.load %arg6[%swap3A_70, %swap3A_71] : memref<256x24xi32, #tpu.memory_space<vmem>>, vector<256x1xi32>
    tpu.vector_store %arg6[%swap3A_70, %swap3A_71], %and3A_69 {strides = array<i32>} : memref<256x24xi32, #tpu.memory_space<vmem>>, vector<256x1xi32>,
    %eq3A_73 = vector.broadcast %broadcast_in_dim3A_66 : vector<256x1xi32> to vector<256x6912xi32>
    %eq3A_74 = arith.cmpi eq, %select_n3A_63, %eq3A_73 : vector<256x6912xi32>
    %jit3A_75 = arith.constant 2147483647 : i32
    %broadcast_in_dim3A_76 = vector.broadcast %jit3A_75 : i32 to vector<256x6912xi32>
    %select_n3A_77 = arith.select %eq3A_74, %broadcast_in_dim3A_76, %select_n3A_63 : vector<256x6912xi1>, vector<256x6912xi32>
    %reduce_min3A_78 = arith.constant dense<2147483647> : vector<256xi32>
    %reduce_min3A_79 = vector.multi_reduction <minsi>, %select_n3A_77, %reduce_min3A_78 [1] : vector<256x6912xi32> to vector<256xi32>
    %broadcast_in_dim3A_80 = vector.shape_cast %reduce_min3A_79 : vector<256xi32> to vector<256x1xi32>
    %and3A_81 = arith.constant 8191 : i32
    %and3A_82 = vector.broadcast %and3A_81 : i32 to vector<256x1xi32>
    %and3A_83 = arith.andi %broadcast_in_dim3A_80, %and3A_82 : vector<256x1xi32>
    %swap3A_84 = arith.constant 0 : index
    %swap3A_85 = arith.constant 3 : index
    %swap3A_86 = vector.load %arg6[%swap3A_84, %swap3A_85] : memref<256x24xi32, #tpu.memory_space<vmem>>, vector<256x1xi32>
    tpu.vector_store %arg6[%swap3A_84, %swap3A_85], %and3A_83 {strides = array<i32>} : memref<256x24xi32, #tpu.memory_space<vmem>>, vector<256x1xi32>,
    %eq3A_87 = vector.broadcast %broadcast_in_dim3A_80 : vector<256x1xi32> to vector<256x6912xi32>
    %eq3A_88 = arith.cmpi eq, %select_n3A_77, %eq3A_87 : vector<256x6912xi32>
    %jit3A_89 = arith.constant 2147483647 : i32
    %broadcast_in_dim3A_90 = vector.broadcast %jit3A_89 : i32 to vector<256x6912xi32>
    %select_n3A_91 = arith.select %eq3A_88, %broadcast_in_dim3A_90, %select_n3A_77 : vector<256x6912xi1>, vector<256x6912xi32>
    %swap3A_92 = arith.constant 0 : index
    %swap3A_93 = arith.constant 0 : index
    %swap3A_94 = vector.load %arg8[%swap3A_92, %swap3A_93] : memref<256x6912xi32, #tpu.memory_space<vmem>>, vector<256x6912xi32>
    tpu.vector_store %arg8[%swap3A_92, %swap3A_93], %select_n3A_91 {strides = array<i32>} : memref<256x6912xi32, #tpu.memory_space<vmem>>, vector<256x6912xi32>,
    %get3A_95 = arith.constant 0 : index
    %get3A_96 = arith.constant 0 : index
    %get3A_97 = vector.load %arg8[%get3A_95, %get3A_96] : memref<256x6912xi32, #tpu.memory_space<vmem>>, vector<256x6912xi32>
    %reduce_min3A_98 = arith.constant dense<2147483647> : vector<256xi32>
    %reduce_min3A_99 = vector.multi_reduction <minsi>, %get3A_97, %reduce_min3A_98 [1] : vector<256x6912xi32> to vector<256xi32>
    %broadcast_in_dim3A_100 = vector.shape_cast %reduce_min3A_99 : vector<256xi32> to vector<256x1xi32>
    %and3A_101 = arith.constant 8191 : i32
    %and3A_102 = vector.broadcast %and3A_101 : i32 to vector<256x1xi32>
    %and3A_103 = arith.andi %broadcast_in_dim3A_100, %and3A_102 : vector<256x1xi32>
    %swap3A_104 = arith.constant 0 : index
    %swap3A_105 = arith.constant 4 : index
    %swap3A_106 = vector.load %arg6[%swap3A_104, %swap3A_105] : memref<256x24xi32, #tpu.memory_space<vmem>>, vector<256x1xi32>
    tpu.vector_store %arg6[%swap3A_104, %swap3A_105], %and3A_103 {strides = array<i32>} : memref<256x24xi32, #tpu.memory_space<vmem>>, vector<256x1xi32>,
    %eq3A_107 = vector.broadcast %broadcast_in_dim3A_100 : vector<256x1xi32> to vector<256x6912xi32>
    %eq3A_108 = arith.cmpi eq, %get3A_97, %eq3A_107 : vector<256x6912xi32>
    %jit3A_109 = arith.constant 2147483647 : i32
    %broadcast_in_dim3A_110 = vector.broadcast %jit3A_109 : i32 to vector<256x6912xi32>
    %select_n3A_111 = arith.select %eq3A_108, %broadcast_in_dim3A_110, %get3A_97 : vector<256x6912xi1>, vector<256x6912xi32>
    %reduce_min3A_112 = arith.constant dense<2147483647> : vector<256xi32>
    %reduce_min3A_113 = vector.multi_reduction <minsi>, %select_n3A_111, %reduce_min3A_112 [1] : vector<256x6912xi32> to vector<256xi32>
    %broadcast_in_dim3A_114 = vector.shape_cast %reduce_min3A_113 : vector<256xi32> to vector<256x1xi32>
    %and3A_115 = arith.constant 8191 : i32
    %and3A_116 = vector.broadcast %and3A_115 : i32 to vector<256x1xi32>
    %and3A_117 = arith.andi %broadcast_in_dim3A_114, %and3A_116 : vector<256x1xi32>
    %swap3A_118 = arith.constant 0 : index
    %swap3A_119 = arith.constant 5 : index
    %swap3A_120 = vector.load %arg6[%swap3A_118, %swap3A_119] : memref<256x24xi32, #tpu.memory_space<vmem>>, vector<256x1xi32>
    tpu.vector_store %arg6[%swap3A_118, %swap3A_119], %and3A_117 {strides = array<i32>} : memref<256x24xi32, #tpu.memory_space<vmem>>, vector<256x1xi32>,
    %eq3A_121 = vector.broadcast %broadcast_in_dim3A_114 : vector<256x1xi32> to vector<256x6912xi32>
    %eq3A_122 = arith.cmpi eq, %select_n3A_111, %eq3A_121 : vector<256x6912xi32>
    %jit3A_123 = arith.constant 2147483647 : i32
    %broadcast_in_dim3A_124 = vector.broadcast %jit3A_123 : i32 to vector<256x6912xi32>
    %select_n3A_125 = arith.select %eq3A_122, %broadcast_in_dim3A_124, %select_n3A_111 : vector<256x6912xi1>, vector<256x6912xi32>
    %reduce_min3A_126 = arith.constant dense<2147483647> : vector<256xi32>
    %reduce_min3A_127 = vector.multi_reduction <minsi>, %select_n3A_125, %reduce_min3A_126 [1] : vector<256x6912xi32> to vector<256xi32>
    %broadcast_in_dim3A_128 = vector.shape_cast %reduce_min3A_127 : vector<256xi32> to vector<256x1xi32>
    %and3A_129 = arith.constant 8191 : i32
    %and3A_130 = vector.broadcast %and3A_129 : i32 to vector<256x1xi32>
    %and3A_131 = arith.andi %broadcast_in_dim3A_128, %and3A_130 : vector<256x1xi32>
    %swap3A_132 = arith.constant 0 : index
    %swap3A_133 = arith.constant 6 : index
    %swap3A_134 = vector.load %arg6[%swap3A_132, %swap3A_133] : memref<256x24xi32, #tpu.memory_space<vmem>>, vector<256x1xi32>
    tpu.vector_store %arg6[%swap3A_132, %swap3A_133], %and3A_131 {strides = array<i32>} : memref<256x24xi32, #tpu.memory_space<vmem>>, vector<256x1xi32>,
    %eq3A_135 = vector.broadcast %broadcast_in_dim3A_128 : vector<256x1xi32> to vector<256x6912xi32>
    %eq3A_136 = arith.cmpi eq, %select_n3A_125, %eq3A_135 : vector<256x6912xi32>
    %jit3A_137 = arith.constant 2147483647 : i32
    %broadcast_in_dim3A_138 = vector.broadcast %jit3A_137 : i32 to vector<256x6912xi32>
    %select_n3A_139 = arith.select %eq3A_136, %broadcast_in_dim3A_138, %select_n3A_125 : vector<256x6912xi1>, vector<256x6912xi32>
    %reduce_min3A_140 = arith.constant dense<2147483647> : vector<256xi32>
    %reduce_min3A_141 = vector.multi_reduction <minsi>, %select_n3A_139, %reduce_min3A_140 [1] : vector<256x6912xi32> to vector<256xi32>
    %broadcast_in_dim3A_142 = vector.shape_cast %reduce_min3A_141 : vector<256xi32> to vector<256x1xi32>
    %and3A_143 = arith.constant 8191 : i32
    %and3A_144 = vector.broadcast %and3A_143 : i32 to vector<256x1xi32>
    %and3A_145 = arith.andi %broadcast_in_dim3A_142, %and3A_144 : vector<256x1xi32>
    %swap3A_146 = arith.constant 0 : index
    %swap3A_147 = arith.constant 7 : index
    %swap3A_148 = vector.load %arg6[%swap3A_146, %swap3A_147] : memref<256x24xi32, #tpu.memory_space<vmem>>, vector<256x1xi32>
    tpu.vector_store %arg6[%swap3A_146, %swap3A_147], %and3A_145 {strides = array<i32>} : memref<256x24xi32, #tpu.memory_space<vmem>>, vector<256x1xi32>,
    %eq3A_149 = vector.broadcast %broadcast_in_dim3A_142 : vector<256x1xi32> to vector<256x6912xi32>
    %eq3A_150 = arith.cmpi eq, %select_n3A_139, %eq3A_149 : vector<256x6912xi32>
    %jit3A_151 = arith.constant 2147483647 : i32
    %broadcast_in_dim3A_152 = vector.broadcast %jit3A_151 : i32 to vector<256x6912xi32>
    %select_n3A_153 = arith.select %eq3A_150, %broadcast_in_dim3A_152, %select_n3A_139 : vector<256x6912xi1>, vector<256x6912xi32>
    %swap3A_154 = arith.constant 0 : index
    %swap3A_155 = arith.constant 0 : index
    %swap3A_156 = vector.load %arg8[%swap3A_154, %swap3A_155] : memref<256x6912xi32, #tpu.memory_space<vmem>>, vector<256x6912xi32>
    tpu.vector_store %arg8[%swap3A_154, %swap3A_155], %select_n3A_153 {strides = array<i32>} : memref<256x6912xi32, #tpu.memory_space<vmem>>, vector<256x6912xi32>,
    %get3A_157 = arith.constant 0 : index
    %get3A_158 = arith.constant 0 : index
    %get3A_159 = vector.load %arg8[%get3A_157, %get3A_158] : memref<256x6912xi32, #tpu.memory_space<vmem>>, vector<256x6912xi32>
    %reduce_min3A_160 = arith.constant dense<2147483647> : vector<256xi32>
    %reduce_min3A_161 = vector.multi_reduction <minsi>, %get3A_159, %reduce_min3A_160 [1] : vector<256x6912xi32> to vector<256xi32>
    %broadcast_in_dim3A_162 = vector.shape_cast %reduce_min3A_161 : vector<256xi32> to vector<256x1xi32>
    %and3A_163 = arith.constant 8191 : i32
    %and3A_164 = vector.broadcast %and3A_163 : i32 to vector<256x1xi32>
    %and3A_165 = arith.andi %broadcast_in_dim3A_162, %and3A_164 : vector<256x1xi32>
    %swap3A_166 = arith.constant 0 : index
    %swap3A_167 = arith.constant 8 : index
    %swap3A_168 = vector.load %arg6[%swap3A_166, %swap3A_167] : memref<256x24xi32, #tpu.memory_space<vmem>>, vector<256x1xi32>
    tpu.vector_store %arg6[%swap3A_166, %swap3A_167], %and3A_165 {strides = array<i32>} : memref<256x24xi32, #tpu.memory_space<vmem>>, vector<256x1xi32>,
    %eq3A_169 = vector.broadcast %broadcast_in_dim3A_162 : vector<256x1xi32> to vector<256x6912xi32>
    %eq3A_170 = arith.cmpi eq, %get3A_159, %eq3A_169 : vector<256x6912xi32>
    %jit3A_171 = arith.constant 2147483647 : i32
    %broadcast_in_dim3A_172 = vector.broadcast %jit3A_171 : i32 to vector<256x6912xi32>
    %select_n3A_173 = arith.select %eq3A_170, %broadcast_in_dim3A_172, %get3A_159 : vector<256x6912xi1>, vector<256x6912xi32>
    %reduce_min3A_174 = arith.constant dense<2147483647> : vector<256xi32>
    %reduce_min3A_175 = vector.multi_reduction <minsi>, %select_n3A_173, %reduce_min3A_174 [1] : vector<256x6912xi32> to vector<256xi32>
    %broadcast_in_dim3A_176 = vector.shape_cast %reduce_min3A_175 : vector<256xi32> to vector<256x1xi32>
    %and3A_177 = arith.constant 8191 : i32
    %and3A_178 = vector.broadcast %and3A_177 : i32 to vector<256x1xi32>
    %and3A_179 = arith.andi %broadcast_in_dim3A_176, %and3A_178 : vector<256x1xi32>
    %swap3A_180 = arith.constant 0 : index
    %swap3A_181 = arith.constant 9 : index
    %swap3A_182 = vector.load %arg6[%swap3A_180, %swap3A_181] : memref<256x24xi32, #tpu.memory_space<vmem>>, vector<256x1xi32>
    tpu.vector_store %arg6[%swap3A_180, %swap3A_181], %and3A_179 {strides = array<i32>} : memref<256x24xi32, #tpu.memory_space<vmem>>, vector<256x1xi32>,
    %eq3A_183 = vector.broadcast %broadcast_in_dim3A_176 : vector<256x1xi32> to vector<256x6912xi32>
    %eq3A_184 = arith.cmpi eq, %select_n3A_173, %eq3A_183 : vector<256x6912xi32>
    %jit3A_185 = arith.constant 2147483647 : i32
    %broadcast_in_dim3A_186 = vector.broadcast %jit3A_185 : i32 to vector<256x6912xi32>
    %select_n3A_187 = arith.select %eq3A_184, %broadcast_in_dim3A_186, %select_n3A_173 : vector<256x6912xi1>, vector<256x6912xi32>
    %reduce_min3A_188 = arith.constant dense<2147483647> : vector<256xi32>
    %reduce_min3A_189 = vector.multi_reduction <minsi>, %select_n3A_187, %reduce_min3A_188 [1] : vector<256x6912xi32> to vector<256xi32>
    %broadcast_in_dim3A_190 = vector.shape_cast %reduce_min3A_189 : vector<256xi32> to vector<256x1xi32>
    %and3A_191 = arith.constant 8191 : i32
    %and3A_192 = vector.broadcast %and3A_191 : i32 to vector<256x1xi32>
    %and3A_193 = arith.andi %broadcast_in_dim3A_190, %and3A_192 : vector<256x1xi32>
    %swap3A_194 = arith.constant 0 : index
    %swap3A_195 = arith.constant 10 : index
    %swap3A_196 = vector.load %arg6[%swap3A_194, %swap3A_195] : memref<256x24xi32, #tpu.memory_space<vmem>>, vector<256x1xi32>
    tpu.vector_store %arg6[%swap3A_194, %swap3A_195], %and3A_193 {strides = array<i32>} : memref<256x24xi32, #tpu.memory_space<vmem>>, vector<256x1xi32>,
    %eq3A_197 = vector.broadcast %broadcast_in_dim3A_190 : vector<256x1xi32> to vector<256x6912xi32>
    %eq3A_198 = arith.cmpi eq, %select_n3A_187, %eq3A_197 : vector<256x6912xi32>
    %jit3A_199 = arith.constant 2147483647 : i32
    %broadcast_in_dim3A_200 = vector.broadcast %jit3A_199 : i32 to vector<256x6912xi32>
    %select_n3A_201 = arith.select %eq3A_198, %broadcast_in_dim3A_200, %select_n3A_187 : vector<256x6912xi1>, vector<256x6912xi32>
    %reduce_min3A_202 = arith.constant dense<2147483647> : vector<256xi32>
    %reduce_min3A_203 = vector.multi_reduction <minsi>, %select_n3A_201, %reduce_min3A_202 [1] : vector<256x6912xi32> to vector<256xi32>
    %broadcast_in_dim3A_204 = vector.shape_cast %reduce_min3A_203 : vector<256xi32> to vector<256x1xi32>
    %and3A_205 = arith.constant 8191 : i32
    %and3A_206 = vector.broadcast %and3A_205 : i32 to vector<256x1xi32>
    %and3A_207 = arith.andi %broadcast_in_dim3A_204, %and3A_206 : vector<256x1xi32>
    %swap3A_208 = arith.constant 0 : index
    %swap3A_209 = arith.constant 11 : index
    %swap3A_210 = vector.load %arg6[%swap3A_208, %swap3A_209] : memref<256x24xi32, #tpu.memory_space<vmem>>, vector<256x1xi32>
    tpu.vector_store %arg6[%swap3A_208, %swap3A_209], %and3A_207 {strides = array<i32>} : memref<256x24xi32, #tpu.memory_space<vmem>>, vector<256x1xi32>,
    %eq3A_211 = vector.broadcast %broadcast_in_dim3A_204 : vector<256x1xi32> to vector<256x6912xi32>
    %eq3A_212 = arith.cmpi eq, %select_n3A_201, %eq3A_211 : vector<256x6912xi32>
    %jit3A_213 = arith.constant 2147483647 : i32
    %broadcast_in_dim3A_214 = vector.broadcast %jit3A_213 : i32 to vector<256x6912xi32>
    %select_n3A_215 = arith.select %eq3A_212, %broadcast_in_dim3A_214, %select_n3A_201 : vector<256x6912xi1>, vector<256x6912xi32>
    %swap3A_216 = arith.constant 0 : index
    %swap3A_217 = arith.constant 0 : index
    %swap3A_218 = vector.load %arg8[%swap3A_216, %swap3A_217] : memref<256x6912xi32, #tpu.memory_space<vmem>>, vector<256x6912xi32>
    tpu.vector_store %arg8[%swap3A_216, %swap3A_217], %select_n3A_215 {strides = array<i32>} : memref<256x6912xi32, #tpu.memory_space<vmem>>, vector<256x6912xi32>,
    %get3A_219 = arith.constant 0 : index
    %get3A_220 = arith.constant 0 : index
    %get3A_221 = vector.load %arg8[%get3A_219, %get3A_220] : memref<256x6912xi32, #tpu.memory_space<vmem>>, vector<256x6912xi32>
    %reduce_min3A_222 = arith.constant dense<2147483647> : vector<256xi32>
    %reduce_min3A_223 = vector.multi_reduction <minsi>, %get3A_221, %reduce_min3A_222 [1] : vector<256x6912xi32> to vector<256xi32>
    %broadcast_in_dim3A_224 = vector.shape_cast %reduce_min3A_223 : vector<256xi32> to vector<256x1xi32>
    %and3A_225 = arith.constant 8191 : i32
    %and3A_226 = vector.broadcast %and3A_225 : i32 to vector<256x1xi32>
    %and3A_227 = arith.andi %broadcast_in_dim3A_224, %and3A_226 : vector<256x1xi32>
    %swap3A_228 = arith.constant 0 : index
    %swap3A_229 = arith.constant 12 : index
    %swap3A_230 = vector.load %arg6[%swap3A_228, %swap3A_229] : memref<256x24xi32, #tpu.memory_space<vmem>>, vector<256x1xi32>
    tpu.vector_store %arg6[%swap3A_228, %swap3A_229], %and3A_227 {strides = array<i32>} : memref<256x24xi32, #tpu.memory_space<vmem>>, vector<256x1xi32>,
    %eq3A_231 = vector.broadcast %broadcast_in_dim3A_224 : vector<256x1xi32> to vector<256x6912xi32>
    %eq3A_232 = arith.cmpi eq, %get3A_221, %eq3A_231 : vector<256x6912xi32>
    %jit3A_233 = arith.constant 2147483647 : i32
    %broadcast_in_dim3A_234 = vector.broadcast %jit3A_233 : i32 to vector<256x6912xi32>
    %select_n3A_235 = arith.select %eq3A_232, %broadcast_in_dim3A_234, %get3A_221 : vector<256x6912xi1>, vector<256x6912xi32>
    %reduce_min3A_236 = arith.constant dense<2147483647> : vector<256xi32>
    %reduce_min3A_237 = vector.multi_reduction <minsi>, %select_n3A_235, %reduce_min3A_236 [1] : vector<256x6912xi32> to vector<256xi32>
    %broadcast_in_dim3A_238 = vector.shape_cast %reduce_min3A_237 : vector<256xi32> to vector<256x1xi32>
    %and3A_239 = arith.constant 8191 : i32
    %and3A_240 = vector.broadcast %and3A_239 : i32 to vector<256x1xi32>
    %and3A_241 = arith.andi %broadcast_in_dim3A_238, %and3A_240 : vector<256x1xi32>
    %swap3A_242 = arith.constant 0 : index
    %swap3A_243 = arith.constant 13 : index
    %swap3A_244 = vector.load %arg6[%swap3A_242, %swap3A_243] : memref<256x24xi32, #tpu.memory_space<vmem>>, vector<256x1xi32>
    tpu.vector_store %arg6[%swap3A_242, %swap3A_243], %and3A_241 {strides = array<i32>} : memref<256x24xi32, #tpu.memory_space<vmem>>, vector<256x1xi32>,
    %eq3A_245 = vector.broadcast %broadcast_in_dim3A_238 : vector<256x1xi32> to vector<256x6912xi32>
    %eq3A_246 = arith.cmpi eq, %select_n3A_235, %eq3A_245 : vector<256x6912xi32>
    %jit3A_247 = arith.constant 2147483647 : i32
    %broadcast_in_dim3A_248 = vector.broadcast %jit3A_247 : i32 to vector<256x6912xi32>
    %select_n3A_249 = arith.select %eq3A_246, %broadcast_in_dim3A_248, %select_n3A_235 : vector<256x6912xi1>, vector<256x6912xi32>
    %reduce_min3A_250 = arith.constant dense<2147483647> : vector<256xi32>
    %reduce_min3A_251 = vector.multi_reduction <minsi>, %select_n3A_249, %reduce_min3A_250 [1] : vector<256x6912xi32> to vector<256xi32>
    %broadcast_in_dim3A_252 = vector.shape_cast %reduce_min3A_251 : vector<256xi32> to vector<256x1xi32>
    %and3A_253 = arith.constant 8191 : i32
    %and3A_254 = vector.broadcast %and3A_253 : i32 to vector<256x1xi32>
    %and3A_255 = arith.andi %broadcast_in_dim3A_252, %and3A_254 : vector<256x1xi32>
    %swap3A_256 = arith.constant 0 : index
    %swap3A_257 = arith.constant 14 : index
    %swap3A_258 = vector.load %arg6[%swap3A_256, %swap3A_257] : memref<256x24xi32, #tpu.memory_space<vmem>>, vector<256x1xi32>
    tpu.vector_store %arg6[%swap3A_256, %swap3A_257], %and3A_255 {strides = array<i32>} : memref<256x24xi32, #tpu.memory_space<vmem>>, vector<256x1xi32>,
    %eq3A_259 = vector.broadcast %broadcast_in_dim3A_252 : vector<256x1xi32> to vector<256x6912xi32>
    %eq3A_260 = arith.cmpi eq, %select_n3A_249, %eq3A_259 : vector<256x6912xi32>
    %jit3A_261 = arith.constant 2147483647 : i32
    %broadcast_in_dim3A_262 = vector.broadcast %jit3A_261 : i32 to vector<256x6912xi32>
    %select_n3A_263 = arith.select %eq3A_260, %broadcast_in_dim3A_262, %select_n3A_249 : vector<256x6912xi1>, vector<256x6912xi32>
    %reduce_min3A_264 = arith.constant dense<2147483647> : vector<256xi32>
    %reduce_min3A_265 = vector.multi_reduction <minsi>, %select_n3A_263, %reduce_min3A_264 [1] : vector<256x6912xi32> to vector<256xi32>
    %broadcast_in_dim3A_266 = vector.shape_cast %reduce_min3A_265 : vector<256xi32> to vector<256x1xi32>
    %and3A_267 = arith.constant 8191 : i32
    %and3A_268 = vector.broadcast %and3A_267 : i32 to vector<256x1xi32>
    %and3A_269 = arith.andi %broadcast_in_dim3A_266, %and3A_268 : vector<256x1xi32>
    %swap3A_270 = arith.constant 0 : index
    %swap3A_271 = arith.constant 15 : index
    %swap3A_272 = vector.load %arg6[%swap3A_270, %swap3A_271] : memref<256x24xi32, #tpu.memory_space<vmem>>, vector<256x1xi32>
    tpu.vector_store %arg6[%swap3A_270, %swap3A_271], %and3A_269 {strides = array<i32>} : memref<256x24xi32, #tpu.memory_space<vmem>>, vector<256x1xi32>,
    %eq3A_273 = vector.broadcast %broadcast_in_dim3A_266 : vector<256x1xi32> to vector<256x6912xi32>
    %eq3A_274 = arith.cmpi eq, %select_n3A_263, %eq3A_273 : vector<256x6912xi32>
    %jit3A_275 = arith.constant 2147483647 : i32
    %broadcast_in_dim3A_276 = vector.broadcast %jit3A_275 : i32 to vector<256x6912xi32>
    %select_n3A_277 = arith.select %eq3A_274, %broadcast_in_dim3A_276, %select_n3A_263 : vector<256x6912xi1>, vector<256x6912xi32>
    %swap3A_278 = arith.constant 0 : index
    %swap3A_279 = arith.constant 0 : index
    %swap3A_280 = vector.load %arg8[%swap3A_278, %swap3A_279] : memref<256x6912xi32, #tpu.memory_space<vmem>>, vector<256x6912xi32>
    tpu.vector_store %arg8[%swap3A_278, %swap3A_279], %select_n3A_277 {strides = array<i32>} : memref<256x6912xi32, #tpu.memory_space<vmem>>, vector<256x6912xi32>,
    %get3A_281 = arith.constant 0 : index
    %get3A_282 = arith.constant 0 : index
    %get3A_283 = vector.load %arg8[%get3A_281, %get3A_282] : memref<256x6912xi32, #tpu.memory_space<vmem>>, vector<256x6912xi32>
    %reduce_min3A_284 = arith.constant dense<2147483647> : vector<256xi32>
    %reduce_min3A_285 = vector.multi_reduction <minsi>, %get3A_283, %reduce_min3A_284 [1] : vector<256x6912xi32> to vector<256xi32>
    %broadcast_in_dim3A_286 = vector.shape_cast %reduce_min3A_285 : vector<256xi32> to vector<256x1xi32>
    %and3A_287 = arith.constant 8191 : i32
    %and3A_288 = vector.broadcast %and3A_287 : i32 to vector<256x1xi32>
    %and3A_289 = arith.andi %broadcast_in_dim3A_286, %and3A_288 : vector<256x1xi32>
    %swap3A_290 = arith.constant 0 : index
    %swap3A_291 = arith.constant 16 : index
    %swap3A_292 = vector.load %arg6[%swap3A_290, %swap3A_291] : memref<256x24xi32, #tpu.memory_space<vmem>>, vector<256x1xi32>
    tpu.vector_store %arg6[%swap3A_290, %swap3A_291], %and3A_289 {strides = array<i32>} : memref<256x24xi32, #tpu.memory_space<vmem>>, vector<256x1xi32>,
    %eq3A_293 = vector.broadcast %broadcast_in_dim3A_286 : vector<256x1xi32> to vector<256x6912xi32>
    %eq3A_294 = arith.cmpi eq, %get3A_283, %eq3A_293 : vector<256x6912xi32>
    %jit3A_295 = arith.constant 2147483647 : i32
    %broadcast_in_dim3A_296 = vector.broadcast %jit3A_295 : i32 to vector<256x6912xi32>
    %select_n3A_297 = arith.select %eq3A_294, %broadcast_in_dim3A_296, %get3A_283 : vector<256x6912xi1>, vector<256x6912xi32>
    %reduce_min3A_298 = arith.constant dense<2147483647> : vector<256xi32>
    %reduce_min3A_299 = vector.multi_reduction <minsi>, %select_n3A_297, %reduce_min3A_298 [1] : vector<256x6912xi32> to vector<256xi32>
    %broadcast_in_dim3A_300 = vector.shape_cast %reduce_min3A_299 : vector<256xi32> to vector<256x1xi32>
    %and3A_301 = arith.constant 8191 : i32
    %and3A_302 = vector.broadcast %and3A_301 : i32 to vector<256x1xi32>
    %and3A_303 = arith.andi %broadcast_in_dim3A_300, %and3A_302 : vector<256x1xi32>
    %swap3A_304 = arith.constant 0 : index
    %swap3A_305 = arith.constant 17 : index
    %swap3A_306 = vector.load %arg6[%swap3A_304, %swap3A_305] : memref<256x24xi32, #tpu.memory_space<vmem>>, vector<256x1xi32>
    tpu.vector_store %arg6[%swap3A_304, %swap3A_305], %and3A_303 {strides = array<i32>} : memref<256x24xi32, #tpu.memory_space<vmem>>, vector<256x1xi32>,
    %eq3A_307 = vector.broadcast %broadcast_in_dim3A_300 : vector<256x1xi32> to vector<256x6912xi32>
    %eq3A_308 = arith.cmpi eq, %select_n3A_297, %eq3A_307 : vector<256x6912xi32>
    %jit3A_309 = arith.constant 2147483647 : i32
    %broadcast_in_dim3A_310 = vector.broadcast %jit3A_309 : i32 to vector<256x6912xi32>
    %select_n3A_311 = arith.select %eq3A_308, %broadcast_in_dim3A_310, %select_n3A_297 : vector<256x6912xi1>, vector<256x6912xi32>
    %reduce_min3A_312 = arith.constant dense<2147483647> : vector<256xi32>
    %reduce_min3A_313 = vector.multi_reduction <minsi>, %select_n3A_311, %reduce_min3A_312 [1] : vector<256x6912xi32> to vector<256xi32>
    %broadcast_in_dim3A_314 = vector.shape_cast %reduce_min3A_313 : vector<256xi32> to vector<256x1xi32>
    %and3A_315 = arith.constant 8191 : i32
    %and3A_316 = vector.broadcast %and3A_315 : i32 to vector<256x1xi32>
    %and3A_317 = arith.andi %broadcast_in_dim3A_314, %and3A_316 : vector<256x1xi32>
    %swap3A_318 = arith.constant 0 : index
    %swap3A_319 = arith.constant 18 : index
    %swap3A_320 = vector.load %arg6[%swap3A_318, %swap3A_319] : memref<256x24xi32, #tpu.memory_space<vmem>>, vector<256x1xi32>
    tpu.vector_store %arg6[%swap3A_318, %swap3A_319], %and3A_317 {strides = array<i32>} : memref<256x24xi32, #tpu.memory_space<vmem>>, vector<256x1xi32>,
    %eq3A_321 = vector.broadcast %broadcast_in_dim3A_314 : vector<256x1xi32> to vector<256x6912xi32>
    %eq3A_322 = arith.cmpi eq, %select_n3A_311, %eq3A_321 : vector<256x6912xi32>
    %jit3A_323 = arith.constant 2147483647 : i32
    %broadcast_in_dim3A_324 = vector.broadcast %jit3A_323 : i32 to vector<256x6912xi32>
    %select_n3A_325 = arith.select %eq3A_322, %broadcast_in_dim3A_324, %select_n3A_311 : vector<256x6912xi1>, vector<256x6912xi32>
    %reduce_min3A_326 = arith.constant dense<2147483647> : vector<256xi32>
    %reduce_min3A_327 = vector.multi_reduction <minsi>, %select_n3A_325, %reduce_min3A_326 [1] : vector<256x6912xi32> to vector<256xi32>
    %broadcast_in_dim3A_328 = vector.shape_cast %reduce_min3A_327 : vector<256xi32> to vector<256x1xi32>
    %and3A_329 = arith.constant 8191 : i32
    %and3A_330 = vector.broadcast %and3A_329 : i32 to vector<256x1xi32>
    %and3A_331 = arith.andi %broadcast_in_dim3A_328, %and3A_330 : vector<256x1xi32>
    %swap3A_332 = arith.constant 0 : index
    %swap3A_333 = arith.constant 19 : index
    %swap3A_334 = vector.load %arg6[%swap3A_332, %swap3A_333] : memref<256x24xi32, #tpu.memory_space<vmem>>, vector<256x1xi32>
    tpu.vector_store %arg6[%swap3A_332, %swap3A_333], %and3A_331 {strides = array<i32>} : memref<256x24xi32, #tpu.memory_space<vmem>>, vector<256x1xi32>,
    %eq3A_335 = vector.broadcast %broadcast_in_dim3A_328 : vector<256x1xi32> to vector<256x6912xi32>
    %eq3A_336 = arith.cmpi eq, %select_n3A_325, %eq3A_335 : vector<256x6912xi32>
    %jit3A_337 = arith.constant 2147483647 : i32
    %broadcast_in_dim3A_338 = vector.broadcast %jit3A_337 : i32 to vector<256x6912xi32>
    %select_n3A_339 = arith.select %eq3A_336, %broadcast_in_dim3A_338, %select_n3A_325 : vector<256x6912xi1>, vector<256x6912xi32>
    %swap3A_340 = arith.constant 0 : index
    %swap3A_341 = arith.constant 0 : index
    %swap3A_342 = vector.load %arg8[%swap3A_340, %swap3A_341] : memref<256x6912xi32, #tpu.memory_space<vmem>>, vector<256x6912xi32>
    tpu.vector_store %arg8[%swap3A_340, %swap3A_341], %select_n3A_339 {strides = array<i32>} : memref<256x6912xi32, #tpu.memory_space<vmem>>, vector<256x6912xi32>,
    %get3A_343 = arith.constant 0 : index
    %get3A_344 = arith.constant 0 : index
    %get3A_345 = vector.load %arg8[%get3A_343, %get3A_344] : memref<256x6912xi32, #tpu.memory_space<vmem>>, vector<256x6912xi32>
    %reduce_min3A_346 = arith.constant dense<2147483647> : vector<256xi32>
    %reduce_min3A_347 = vector.multi_reduction <minsi>, %get3A_345, %reduce_min3A_346 [1] : vector<256x6912xi32> to vector<256xi32>
    %broadcast_in_dim3A_348 = vector.shape_cast %reduce_min3A_347 : vector<256xi32> to vector<256x1xi32>
    %and3A_349 = arith.constant 8191 : i32
    %and3A_350 = vector.broadcast %and3A_349 : i32 to vector<256x1xi32>
    %and3A_351 = arith.andi %broadcast_in_dim3A_348, %and3A_350 : vector<256x1xi32>
    %swap3A_352 = arith.constant 0 : index
    %swap3A_353 = arith.constant 20 : index
    %swap3A_354 = vector.load %arg6[%swap3A_352, %swap3A_353] : memref<256x24xi32, #tpu.memory_space<vmem>>, vector<256x1xi32>
    tpu.vector_store %arg6[%swap3A_352, %swap3A_353], %and3A_351 {strides = array<i32>} : memref<256x24xi32, #tpu.memory_space<vmem>>, vector<256x1xi32>,
    %eq3A_355 = vector.broadcast %broadcast_in_dim3A_348 : vector<256x1xi32> to vector<256x6912xi32>
    %eq3A_356 = arith.cmpi eq, %get3A_345, %eq3A_355 : vector<256x6912xi32>
    %jit3A_357 = arith.constant 2147483647 : i32
    %broadcast_in_dim3A_358 = vector.broadcast %jit3A_357 : i32 to vector<256x6912xi32>
    %select_n3A_359 = arith.select %eq3A_356, %broadcast_in_dim3A_358, %get3A_345 : vector<256x6912xi1>, vector<256x6912xi32>
    %reduce_min3A_360 = arith.constant dense<2147483647> : vector<256xi32>
    %reduce_min3A_361 = vector.multi_reduction <minsi>, %select_n3A_359, %reduce_min3A_360 [1] : vector<256x6912xi32> to vector<256xi32>
    %broadcast_in_dim3A_362 = vector.shape_cast %reduce_min3A_361 : vector<256xi32> to vector<256x1xi32>
    %and3A_363 = arith.constant 8191 : i32
    %and3A_364 = vector.broadcast %and3A_363 : i32 to vector<256x1xi32>
    %and3A_365 = arith.andi %broadcast_in_dim3A_362, %and3A_364 : vector<256x1xi32>
    %swap3A_366 = arith.constant 0 : index
    %swap3A_367 = arith.constant 21 : index
    %swap3A_368 = vector.load %arg6[%swap3A_366, %swap3A_367] : memref<256x24xi32, #tpu.memory_space<vmem>>, vector<256x1xi32>
    tpu.vector_store %arg6[%swap3A_366, %swap3A_367], %and3A_365 {strides = array<i32>} : memref<256x24xi32, #tpu.memory_space<vmem>>, vector<256x1xi32>,
    %eq3A_369 = vector.broadcast %broadcast_in_dim3A_362 : vector<256x1xi32> to vector<256x6912xi32>
    %eq3A_370 = arith.cmpi eq, %select_n3A_359, %eq3A_369 : vector<256x6912xi32>
    %jit3A_371 = arith.constant 2147483647 : i32
    %broadcast_in_dim3A_372 = vector.broadcast %jit3A_371 : i32 to vector<256x6912xi32>
    %select_n3A_373 = arith.select %eq3A_370, %broadcast_in_dim3A_372, %select_n3A_359 : vector<256x6912xi1>, vector<256x6912xi32>
    %reduce_min3A_374 = arith.constant dense<2147483647> : vector<256xi32>
    %reduce_min3A_375 = vector.multi_reduction <minsi>, %select_n3A_373, %reduce_min3A_374 [1] : vector<256x6912xi32> to vector<256xi32>
    %broadcast_in_dim3A_376 = vector.shape_cast %reduce_min3A_375 : vector<256xi32> to vector<256x1xi32>
    %and3A_377 = arith.constant 8191 : i32
    %and3A_378 = vector.broadcast %and3A_377 : i32 to vector<256x1xi32>
    %and3A_379 = arith.andi %broadcast_in_dim3A_376, %and3A_378 : vector<256x1xi32>
    %swap3A_380 = arith.constant 0 : index
    %swap3A_381 = arith.constant 22 : index
    %swap3A_382 = vector.load %arg6[%swap3A_380, %swap3A_381] : memref<256x24xi32, #tpu.memory_space<vmem>>, vector<256x1xi32>
    tpu.vector_store %arg6[%swap3A_380, %swap3A_381], %and3A_379 {strides = array<i32>} : memref<256x24xi32, #tpu.memory_space<vmem>>, vector<256x1xi32>,
    %eq3A_383 = vector.broadcast %broadcast_in_dim3A_376 : vector<256x1xi32> to vector<256x6912xi32>
    %eq3A_384 = arith.cmpi eq, %select_n3A_373, %eq3A_383 : vector<256x6912xi32>
    %jit3A_385 = arith.constant 2147483647 : i32
    %broadcast_in_dim3A_386 = vector.broadcast %jit3A_385 : i32 to vector<256x6912xi32>
    %select_n3A_387 = arith.select %eq3A_384, %broadcast_in_dim3A_386, %select_n3A_373 : vector<256x6912xi1>, vector<256x6912xi32>
    %reduce_min3A_388 = arith.constant dense<2147483647> : vector<256xi32>
    %reduce_min3A_389 = vector.multi_reduction <minsi>, %select_n3A_387, %reduce_min3A_388 [1] : vector<256x6912xi32> to vector<256xi32>
    %broadcast_in_dim3A_390 = vector.shape_cast %reduce_min3A_389 : vector<256xi32> to vector<256x1xi32>
    %and3A_391 = arith.constant 8191 : i32
    %and3A_392 = vector.broadcast %and3A_391 : i32 to vector<256x1xi32>
    %and3A_393 = arith.andi %broadcast_in_dim3A_390, %and3A_392 : vector<256x1xi32>
    %swap3A_394 = arith.constant 0 : index
    %swap3A_395 = arith.constant 23 : index
    %swap3A_396 = vector.load %arg6[%swap3A_394, %swap3A_395] : memref<256x24xi32, #tpu.memory_space<vmem>>, vector<256x1xi32>
    tpu.vector_store %arg6[%swap3A_394, %swap3A_395], %and3A_393 {strides = array<i32>} : memref<256x24xi32, #tpu.memory_space<vmem>>, vector<256x1xi32>,
    %eq3A_397 = vector.broadcast %broadcast_in_dim3A_390 : vector<256x1xi32> to vector<256x6912xi32>
    %eq3A_398 = arith.cmpi eq, %select_n3A_387, %eq3A_397 : vector<256x6912xi32>
    %jit3A_399 = arith.constant 2147483647 : i32
    %broadcast_in_dim3A_400 = vector.broadcast %jit3A_399 : i32 to vector<256x6912xi32>
    %select_n3A_401 = arith.select %eq3A_398, %broadcast_in_dim3A_400, %select_n3A_387 : vector<256x6912xi1>, vector<256x6912xi32>
    %swap3A_402 = arith.constant 0 : index
    %swap3A_403 = arith.constant 0 : index
    %swap3A_404 = vector.load %arg8[%swap3A_402, %swap3A_403] : memref<256x6912xi32, #tpu.memory_space<vmem>>, vector<256x6912xi32>
    tpu.vector_store %arg8[%swap3A_402, %swap3A_403], %select_n3A_401 {strides = array<i32>} : memref<256x6912xi32, #tpu.memory_space<vmem>>, vector<256x6912xi32>,
    %get3A_405 = arith.constant 0 : index
    %get3A_406 = arith.constant 0 : index
    %get3A_407 = vector.load %arg3[%get3A_405, %get3A_406] : memref<256x32xf32, #tpu.memory_space<vmem>>, vector<256x32xf32>
    %get3A_408 = arith.constant 0 : index
    %get3A_409 = arith.constant 0 : index
    %get3A_410 = vector.load %arg5[%get3A_408, %get3A_409] : memref<32x32xf32, #tpu.memory_space<vmem>>, vector<32x32xf32>
    %dot_general3A_411 = arith.constant dense<0.000000e+00> : vector<256x32xf32>
    %dot_general3A_412 = tpu.matmul %get3A_407, %get3A_410, %dot_general3A_411 {dimension_numbers = #tpu.dot_dimension_numbers<[1], [0], [0], [1], [0, 0, 1, 1], [], []>, transpose_lhs_hint = false} : vector<256x32xf32>, vector<32x32xf32>, vector<256x32xf32> -> vector<256x32xf32>
    %mul3A_413 = arith.constant 256 : i32
    %mul3A_414 = arith.muli %arg0, %mul3A_413 : i32
    %iota3A_415 = tpu.iota {dimensions = array<i32: 0>} : vector<256x1xi32>
    %add3A_416 = vector.broadcast %mul3A_414 : i32 to vector<256x1xi32>
    %add3A_417 = arith.addi %add3A_416, %iota3A_415 : vector<256x1xi32>
    %swap3A_418 = arith.constant 0 : index
    %swap3A_419 = arith.constant 0 : index
    %swap3A_420 = vector.load %arg7[%swap3A_418, %swap3A_419] : memref<256x128xf32, #tpu.memory_space<vmem>>, vector<256x32xf32>
    tpu.vector_store %arg7[%swap3A_418, %swap3A_419], %dot_general3A_412 {strides = array<i32>} : memref<256x128xf32, #tpu.memory_space<vmem>>, vector<256x32xf32>,
    %get3A_421 = arith.constant 0 : index
    %get3A_422 = arith.constant 0 : index
    %get3A_423 = vector.load %arg4[%get3A_421, %get3A_422] : memref<256x9xf32, #tpu.memory_space<vmem>>, vector<256x9xf32>
    %swap3A_424 = arith.constant 0 : index
    %swap3A_425 = arith.constant 32 : index
    %swap3A_426 = vector.load %arg7[%swap3A_424, %swap3A_425] : memref<256x128xf32, #tpu.memory_space<vmem>>, vector<256x9xf32>
    tpu.vector_store %arg7[%swap3A_424, %swap3A_425], %get3A_423 {strides = array<i32>} : memref<256x128xf32, #tpu.memory_space<vmem>>, vector<256x9xf32>,
    %swap3A_427 = arith.constant 0 : index
    %swap3A_428 = arith.constant 41 : index
    %swap3A_429 = vector.load %arg7[%swap3A_427, %swap3A_428] : memref<256x128xf32, #tpu.memory_space<vmem>>, vector<256x3xf32>
    tpu.vector_store %arg7[%swap3A_427, %swap3A_428], %get3A_1 {strides = array<i32>} : memref<256x128xf32, #tpu.memory_space<vmem>>, vector<256x3xf32>,
    %jit3A_430 = arith.constant 27 : i32
    %eq3A_431 = arith.constant 0 : i32
    %eq3A_432 = arith.cmpi eq, %jit3A_430, %eq3A_431 : i32
    %jit3A_433 = arith.constant 1 : i32
    %select_n3A_434 = arith.select %eq3A_432, %jit3A_433, %jit3A_430 : i32
    %rem3A = vector.broadcast %select_n3A_434 : i32 to vector<256x1xi32>
    %rem3A_435 = arith.remsi %add3A_417, %rem3A : vector<256x1xi32>
    %ne3A = arith.constant 0 : i32
    %ne3A_436 = vector.broadcast %ne3A : i32 to vector<256x1xi32>
    %ne3A_437 = arith.cmpi ne, %rem3A_435, %ne3A_436 : vector<256x1xi32>
    %lt3A = arith.constant 0 : i32
    %lt3A_438 = vector.broadcast %lt3A : i32 to vector<256x1xi32>
    %lt3A_439 = arith.cmpi slt, %rem3A_435, %lt3A_438 : vector<256x1xi32>
    %lt3A_440 = arith.constant 0 : i32
    %lt3A_441 = arith.cmpi slt, %select_n3A_434, %lt3A_440 : i32
    %ne3A_442 = vector.broadcast %lt3A_441 : i1 to vector<256x1xi1>
    %ne3A_443 = vector.broadcast %ne3A_442 : vector<256x1xi1> to vector<256x1xi1>
    %ne3A_444 = arith.xori %lt3A_439, %ne3A_443 : vector<256x1xi1>
    %and3A_445 = arith.andi %ne3A_444, %ne3A_437 : vector<256x1xi1>
    %add3A_446 = vector.broadcast %select_n3A_434 : i32 to vector<256x1xi32>
    %add3A_447 = arith.addi %rem3A_435, %add3A_446 : vector<256x1xi32>
    %select_n3A_448 = arith.select %and3A_445, %add3A_447, %rem3A_435 : vector<256x1xi1>, vector<256x1xi32>
    %convert_element_type3A = arith.sitofp %select_n3A_448 : vector<256x1xi32> to vector<256x1xf32>
    %swap3A_449 = arith.constant 0 : index
    %swap3A_450 = arith.constant 44 : index
    %swap3A_451 = vector.load %arg7[%swap3A_449, %swap3A_450] : memref<256x128xf32, #tpu.memory_space<vmem>>, vector<256x1xf32>
    tpu.vector_store %arg7[%swap3A_449, %swap3A_450], %convert_element_type3A {strides = array<i32>} : memref<256x128xf32, #tpu.memory_space<vmem>>, vector<256x1xf32>,
    %jit3A_452 = arith.constant 27 : i32
    %div3A = vector.broadcast %jit3A_452 : i32 to vector<256x1xi32>
    %div3A_453 = arith.divsi %add3A_417, %div3A : vector<256x1xi32>
    %sign3A = arith.constant 0 : i32
    %sign3A_454 = vector.broadcast %sign3A : i32 to vector<256x1xi32>
    %sign3A_455 = arith.cmpi sgt, %add3A_417, %sign3A_454 : vector<256x1xi32>
    %sign3A_456 = arith.extui %sign3A_455 : vector<256x1xi1> to vector<256x1xi32>
    %sign3A_457 = arith.constant 0 : i32
    %sign3A_458 = vector.broadcast %sign3A_457 : i32 to vector<256x1xi32>
    %sign3A_459 = arith.cmpi slt, %add3A_417, %sign3A_458 : vector<256x1xi32>
    %sign3A_460 = arith.extui %sign3A_459 : vector<256x1xi1> to vector<256x1xi32>
    %sign3A_461 = arith.subi %sign3A_456, %sign3A_460 : vector<256x1xi32>
    %sign3A_462 = arith.constant 0 : i32
    %sign3A_463 = arith.cmpi sgt, %jit3A_452, %sign3A_462 : i32
    %sign3A_464 = arith.extui %sign3A_463 : i1 to i32
    %sign3A_465 = arith.constant 0 : i32
    %sign3A_466 = arith.cmpi slt, %jit3A_452, %sign3A_465 : i32
    %sign3A_467 = arith.extui %sign3A_466 : i1 to i32
    %sign3A_468 = arith.subi %sign3A_464, %sign3A_467 : i32
    %ne3A_469 = vector.broadcast %sign3A_468 : i32 to vector<256x1xi32>
    %ne3A_470 = arith.cmpi ne, %sign3A_461, %ne3A_469 : vector<256x1xi32>
    %rem3A_471 = vector.broadcast %jit3A_452 : i32 to vector<256x1xi32>
    %rem3A_472 = arith.remsi %add3A_417, %rem3A_471 : vector<256x1xi32>
    %ne3A_473 = arith.constant 0 : i32
    %ne3A_474 = vector.broadcast %ne3A_473 : i32 to vector<256x1xi32>
    %ne3A_475 = arith.cmpi ne, %rem3A_472, %ne3A_474 : vector<256x1xi32>
    %and3A_476 = arith.andi %ne3A_470, %ne3A_475 : vector<256x1xi1>
    %sub3A_477 = arith.constant 1 : i32
    %sub3A_478 = vector.broadcast %sub3A_477 : i32 to vector<256x1xi32>
    %sub3A_479 = arith.subi %div3A_453, %sub3A_478 : vector<256x1xi32>
    %select_n3A_480 = arith.select %and3A_476, %sub3A_479, %div3A_453 : vector<256x1xi1>, vector<256x1xi32>
    %convert_element_type3A_481 = arith.sitofp %select_n3A_480 : vector<256x1xi32> to vector<256x1xf32>
    %swap3A_482 = arith.constant 0 : index
    %swap3A_483 = arith.constant 45 : index
    %swap3A_484 = vector.load %arg7[%swap3A_482, %swap3A_483] : memref<256x128xf32, #tpu.memory_space<vmem>>, vector<256x1xf32>
    tpu.vector_store %arg7[%swap3A_482, %swap3A_483], %convert_element_type3A_481 {strides = array<i32>} : memref<256x128xf32, #tpu.memory_space<vmem>>, vector<256x1xf32>,
    %broadcast_in_dim3A_485 = arith.constant 0.000000e+00 : f32
    %broadcast_in_dim3A_486 = vector.broadcast %broadcast_in_dim3A_485 : f32 to vector<256x82xf32>
    %swap3A_487 = arith.constant 0 : index
    %swap3A_488 = arith.constant 46 : index
    %swap3A_489 = vector.load %arg7[%swap3A_487, %swap3A_488] : memref<256x128xf32, #tpu.memory_space<vmem>>, vector<256x82xf32>
    tpu.vector_store %arg7[%swap3A_487, %swap3A_488], %broadcast_in_dim3A_486 {strides = array<i32>} : memref<256x128xf32, #tpu.memory_space<vmem>>, vector<256x82xf32>,
    return
  }
  func.func @transform_0(%arg0: i32) -> (i32, i32) {
    %c0_i32 = arith.constant 0 : i32
    %c0_i32_0 = arith.constant 0 : i32
    return %arg0, %c0_i32 : i32, i32
  }
  func.func @transform_1(%arg0: i32) -> (i32, i32) {
    %c0_i32 = arith.constant 0 : i32
    %c0_i32_0 = arith.constant 0 : i32
    %c0_i32_1 = arith.constant 0 : i32
    return %c0_i32, %c0_i32_0 : i32, i32
  }
  func.func @transform_2(%arg0: i32) -> (i32, i32) {
    %c0_i32 = arith.constant 0 : i32
    %c0_i32_0 = arith.constant 0 : i32
    return %arg0, %c0_i32 : i32, i32
  }
  func.func @transform_3(%arg0: i32) -> (i32, i32) {
    %c0_i32 = arith.constant 0 : i32
    %c0_i32_0 = arith.constant 0 : i32
    return %arg0, %c0_i32 : i32, i32
  }
  func.func @transform_4(%arg0: i32) -> (i32, i32) {
    %c0_i32 = arith.constant 0 : i32
    %c0_i32_0 = arith.constant 0 : i32
    %c0_i32_1 = arith.constant 0 : i32
    return %c0_i32, %c0_i32_0 : i32, i32
  }
  func.func @transform_5(%arg0: i32) -> (i32, i32) {
    %c0_i32 = arith.constant 0 : i32
    %c0_i32_0 = arith.constant 0 : i32
    return %arg0, %c0_i32 : i32, i32
  }
  func.func @transform_6(%arg0: i32) -> (i32, i32) {
    %c0_i32 = arith.constant 0 : i32
    %c0_i32_0 = arith.constant 0 : i32
    return %arg0, %c0_i32 : i32, i32
  }
}

module attributes {stable_mosaic.version = 14 : i64} {
  func.func @_msg_body(%arg0: i32, %arg1: memref<3072x128xf32, #tpu.memory_space<vmem>>, %arg2: memref<128x27xf32, #tpu.memory_space<vmem>>, %arg3: memref<128x3xf32, #tpu.memory_space<vmem>>, %arg4: memref<128x32xf32, #tpu.memory_space<vmem>>, %arg5: memref<97x32xf32, #tpu.memory_space<vmem>>, %arg6: memref<6x32xf32, #tpu.memory_space<vmem>>, %arg7: memref<32x4xf32, #tpu.memory_space<vmem>>, %arg8: memref<32x32xf32, #tpu.memory_space<vmem>>, %arg9: memref<128x32xf32, #tpu.memory_space<vmem>>, %arg10: memref<128x3xf32, #tpu.memory_space<vmem>>, %arg11: memref<128x3072xf32, #tpu.memory_space<vmem>>, %arg12: memref<3072x128xf32, #tpu.memory_space<vmem>>) attributes {dimension_semantics = [#tpu.dimension_semantics<arbitrary>], iteration_bounds = array<i64: 54>, scalar_prefetch = 0 : i64, scratch_operands = 2 : i64, tpu.core_type = #tpu.core_type<tc>, window_params = [{transform_indices = @transform_0, window_bounds = array<i64: 3072, 128>}, {transform_indices = @transform_1, window_bounds = array<i64: 128, 27>}, {transform_indices = @transform_2, window_bounds = array<i64: 128, 3>}, {transform_indices = @transform_3, window_bounds = array<i64: 128, 32>}, {pipeline_mode = #tpu.pipeline_mode<synchronous>, transform_indices = @transform_4, window_bounds = array<i64: 97, 32>}, {pipeline_mode = #tpu.pipeline_mode<synchronous>, transform_indices = @transform_5, window_bounds = array<i64: 6, 32>}, {pipeline_mode = #tpu.pipeline_mode<synchronous>, transform_indices = @transform_6, window_bounds = array<i64: 32, 4>}, {pipeline_mode = #tpu.pipeline_mode<synchronous>, transform_indices = @transform_7, window_bounds = array<i64: 32, 32>}, {transform_indices = @transform_8, window_bounds = array<i64: 128, 32>}, {transform_indices = @transform_9, window_bounds = array<i64: 128, 3>}]} {
    %eq3A = arith.constant 0 : i32
    %eq3A_0 = arith.cmpi eq, %arg0, %eq3A : i32
    %convert_element_type3A = arith.extui %eq3A_0 : i1 to i32
    %cond3A = arith.constant 0 : i32
    %cond3A_1 = arith.cmpi ne, %convert_element_type3A, %cond3A : i32
    scf.if %cond3A_1 {
      %iota3A_197 = tpu.iota {dimensions = array<i32: 0>} : vector<128x3072xi32>
      %iota3A_198 = tpu.iota {dimensions = array<i32: 1>} : vector<128x3072xi32>
      %jit3A_199 = arith.constant 24 : i32
      %div3A_200 = vector.broadcast %jit3A_199 : i32 to vector<128x3072xi32>
      %div3A_201 = arith.divsi %iota3A_198, %div3A_200 : vector<128x3072xi32>
      %sign3A_202 = arith.constant 0 : i32
      %sign3A_203 = vector.broadcast %sign3A_202 : i32 to vector<128x3072xi32>
      %sign3A_204 = arith.cmpi sgt, %iota3A_198, %sign3A_203 : vector<128x3072xi32>
      %sign3A_205 = arith.extui %sign3A_204 : vector<128x3072xi1> to vector<128x3072xi32>
      %sign3A_206 = arith.constant 0 : i32
      %sign3A_207 = vector.broadcast %sign3A_206 : i32 to vector<128x3072xi32>
      %sign3A_208 = arith.cmpi slt, %iota3A_198, %sign3A_207 : vector<128x3072xi32>
      %sign3A_209 = arith.extui %sign3A_208 : vector<128x3072xi1> to vector<128x3072xi32>
      %sign3A_210 = arith.subi %sign3A_205, %sign3A_209 : vector<128x3072xi32>
      %sign3A_211 = arith.constant 0 : i32
      %sign3A_212 = arith.cmpi sgt, %jit3A_199, %sign3A_211 : i32
      %sign3A_213 = arith.extui %sign3A_212 : i1 to i32
      %sign3A_214 = arith.constant 0 : i32
      %sign3A_215 = arith.cmpi slt, %jit3A_199, %sign3A_214 : i32
      %sign3A_216 = arith.extui %sign3A_215 : i1 to i32
      %sign3A_217 = arith.subi %sign3A_213, %sign3A_216 : i32
      %ne3A_218 = vector.broadcast %sign3A_217 : i32 to vector<128x3072xi32>
      %ne3A_219 = arith.cmpi ne, %sign3A_210, %ne3A_218 : vector<128x3072xi32>
      %rem3A_220 = vector.broadcast %jit3A_199 : i32 to vector<128x3072xi32>
      %rem3A_221 = arith.remsi %iota3A_198, %rem3A_220 : vector<128x3072xi32>
      %ne3A_222 = arith.constant 0 : i32
      %ne3A_223 = vector.broadcast %ne3A_222 : i32 to vector<128x3072xi32>
      %ne3A_224 = arith.cmpi ne, %rem3A_221, %ne3A_223 : vector<128x3072xi32>
      %and3A_225 = arith.andi %ne3A_219, %ne3A_224 : vector<128x3072xi1>
      %sub3A_226 = arith.constant 1 : i32
      %sub3A_227 = vector.broadcast %sub3A_226 : i32 to vector<128x3072xi32>
      %sub3A_228 = arith.subi %div3A_201, %sub3A_227 : vector<128x3072xi32>
      %select_n3A_229 = arith.select %and3A_225, %sub3A_228, %div3A_201 : vector<128x3072xi1>, vector<128x3072xi32>
      %eq3A_230 = arith.cmpi eq, %select_n3A_229, %iota3A_197 : vector<128x3072xi32>
      %convert_element_type3A_231 = arith.extui %eq3A_230 : vector<128x3072xi1> to vector<128x3072xi32>
      %convert_element_type3A_232 = arith.sitofp %convert_element_type3A_231 : vector<128x3072xi32> to vector<128x3072xf32>
      %swap3A_233 = arith.constant 0 : index
      %swap3A_234 = arith.constant 0 : index
      %swap3A_235 = vector.load %arg11[%swap3A_233, %swap3A_234] : memref<128x3072xf32, #tpu.memory_space<vmem>>, vector<128x3072xf32>
      tpu.vector_store %arg11[%swap3A_233, %swap3A_234], %convert_element_type3A_232 {strides = array<i32>} : memref<128x3072xf32, #tpu.memory_space<vmem>>, vector<128x3072xf32>,
      %iota3A_236 = tpu.iota {dimensions = array<i32: 1>} : vector<3072x128xi32>
      %iota3A_237 = tpu.iota {dimensions = array<i32: 0>} : vector<3072x128xi32>
      %jit3A_238 = arith.constant 24 : i32
      %div3A_239 = vector.broadcast %jit3A_238 : i32 to vector<3072x128xi32>
      %div3A_240 = arith.divsi %iota3A_237, %div3A_239 : vector<3072x128xi32>
      %sign3A_241 = arith.constant 0 : i32
      %sign3A_242 = vector.broadcast %sign3A_241 : i32 to vector<3072x128xi32>
      %sign3A_243 = arith.cmpi sgt, %iota3A_237, %sign3A_242 : vector<3072x128xi32>
      %sign3A_244 = arith.extui %sign3A_243 : vector<3072x128xi1> to vector<3072x128xi32>
      %sign3A_245 = arith.constant 0 : i32
      %sign3A_246 = vector.broadcast %sign3A_245 : i32 to vector<3072x128xi32>
      %sign3A_247 = arith.cmpi slt, %iota3A_237, %sign3A_246 : vector<3072x128xi32>
      %sign3A_248 = arith.extui %sign3A_247 : vector<3072x128xi1> to vector<3072x128xi32>
      %sign3A_249 = arith.subi %sign3A_244, %sign3A_248 : vector<3072x128xi32>
      %sign3A_250 = arith.constant 0 : i32
      %sign3A_251 = arith.cmpi sgt, %jit3A_238, %sign3A_250 : i32
      %sign3A_252 = arith.extui %sign3A_251 : i1 to i32
      %sign3A_253 = arith.constant 0 : i32
      %sign3A_254 = arith.cmpi slt, %jit3A_238, %sign3A_253 : i32
      %sign3A_255 = arith.extui %sign3A_254 : i1 to i32
      %sign3A_256 = arith.subi %sign3A_252, %sign3A_255 : i32
      %ne3A_257 = vector.broadcast %sign3A_256 : i32 to vector<3072x128xi32>
      %ne3A_258 = arith.cmpi ne, %sign3A_249, %ne3A_257 : vector<3072x128xi32>
      %rem3A_259 = vector.broadcast %jit3A_238 : i32 to vector<3072x128xi32>
      %rem3A_260 = arith.remsi %iota3A_237, %rem3A_259 : vector<3072x128xi32>
      %ne3A_261 = arith.constant 0 : i32
      %ne3A_262 = vector.broadcast %ne3A_261 : i32 to vector<3072x128xi32>
      %ne3A_263 = arith.cmpi ne, %rem3A_260, %ne3A_262 : vector<3072x128xi32>
      %and3A_264 = arith.andi %ne3A_258, %ne3A_263 : vector<3072x128xi1>
      %sub3A_265 = arith.constant 1 : i32
      %sub3A_266 = vector.broadcast %sub3A_265 : i32 to vector<3072x128xi32>
      %sub3A_267 = arith.subi %div3A_240, %sub3A_266 : vector<3072x128xi32>
      %select_n3A_268 = arith.select %and3A_264, %sub3A_267, %div3A_240 : vector<3072x128xi1>, vector<3072x128xi32>
      %eq3A_269 = arith.cmpi eq, %select_n3A_268, %iota3A_236 : vector<3072x128xi32>
      %convert_element_type3A_270 = arith.extui %eq3A_269 : vector<3072x128xi1> to vector<3072x128xi32>
      %convert_element_type3A_271 = arith.sitofp %convert_element_type3A_270 : vector<3072x128xi32> to vector<3072x128xf32>
      %swap3A_272 = arith.constant 0 : index
      %swap3A_273 = arith.constant 0 : index
      %swap3A_274 = vector.load %arg12[%swap3A_272, %swap3A_273] : memref<3072x128xf32, #tpu.memory_space<vmem>>, vector<3072x128xf32>
      tpu.vector_store %arg12[%swap3A_272, %swap3A_273], %convert_element_type3A_271 {strides = array<i32>} : memref<3072x128xf32, #tpu.memory_space<vmem>>, vector<3072x128xf32>,
    } else {
    }
    %get3A = arith.constant 0 : index
    %get3A_2 = arith.constant 0 : index
    %get3A_3 = vector.load %arg11[%get3A, %get3A_2] : memref<128x3072xf32, #tpu.memory_space<vmem>>, vector<128x3072xf32>
    %get3A_4 = arith.constant 0 : index
    %get3A_5 = arith.constant 0 : index
    %get3A_6 = vector.load %arg12[%get3A_4, %get3A_5] : memref<3072x128xf32, #tpu.memory_space<vmem>>, vector<3072x128xf32>
    %get3A_7 = arith.constant 0 : index
    %get3A_8 = arith.constant 0 : index
    %get3A_9 = vector.load %arg3[%get3A_7, %get3A_8] : memref<128x3xf32, #tpu.memory_space<vmem>>, vector<128x3xf32>
    %get3A_10 = arith.constant 32 : index
    %get3A_11 = arith.constant 0 : index
    %get3A_12 = vector.load %arg5[%get3A_10, %get3A_11] : memref<97x32xf32, #tpu.memory_space<vmem>>, vector<32x32xf32>
    %get3A_13 = arith.constant 64 : index
    %get3A_14 = arith.constant 0 : index
    %get3A_15 = vector.load %arg5[%get3A_13, %get3A_14] : memref<97x32xf32, #tpu.memory_space<vmem>>, vector<32x32xf32>
    %get3A_16 = arith.constant 96 : index
    %get3A_17 = arith.constant 0 : index
    %get3A_18 = vector.load %arg5[%get3A_16, %get3A_17] : memref<97x32xf32, #tpu.memory_space<vmem>>, vector<1x32xf32>
    %get3A_19 = arith.constant 0 : index
    %get3A_20 = arith.constant 0 : index
    %get3A_21 = vector.load %arg4[%get3A_19, %get3A_20] : memref<128x32xf32, #tpu.memory_space<vmem>>, vector<128x32xf32>
    %dot_general3A = arith.constant dense<0.000000e+00> : vector<128x32xf32>
    %dot_general3A_22 = tpu.matmul %get3A_21, %get3A_12, %dot_general3A {dimension_numbers = #tpu.dot_dimension_numbers<[1], [0], [0], [1], [0, 0, 1, 1], [], []>, transpose_lhs_hint = false} : vector<128x32xf32>, vector<32x32xf32>, vector<128x32xf32> -> vector<128x32xf32>
    %get3A_23 = arith.constant 0 : index
    %get3A_24 = arith.constant 0 : index
    %get3A_25 = vector.load %arg2[%get3A_23, %get3A_24] : memref<128x27xf32, #tpu.memory_space<vmem>>, vector<128x27xf32>
    %concatenate3A = tpu.concatenate %dot_general3A_22, %get3A_9, %get3A_25 in 1 : vector<128x32xf32>, vector<128x3xf32>, vector<128x27xf32> -> vector<128x62xf32>
    %dot_general3A_26 = arith.constant dense<0.000000e+00> : vector<3072x62xf32>
    %dot_general3A_27 = tpu.matmul %get3A_6, %concatenate3A, %dot_general3A_26 {dimension_numbers = #tpu.dot_dimension_numbers<[1], [0], [0], [1], [0, 0, 1, 1], [], []>, transpose_lhs_hint = false} : vector<3072x128xf32>, vector<128x62xf32>, vector<3072x62xf32> -> vector<3072x62xf32>
    %slice3A = vector.extract_strided_slice %dot_general3A_27 {offsets = [0, 0], sizes = [3072, 32], strides = [1, 1]} : vector<3072x62xf32> to vector<3072x32xf32>
    %slice3A_28 = vector.extract_strided_slice %dot_general3A_27 {offsets = [0, 32], sizes = [3072, 3], strides = [1, 1]} : vector<3072x62xf32> to vector<3072x3xf32>
    %slice3A_29 = vector.extract_strided_slice %dot_general3A_27 {offsets = [0, 35], sizes = [3072, 27], strides = [1, 1]} : vector<3072x62xf32> to vector<3072x27xf32>
    %get3A_30 = arith.constant 0 : index
    %get3A_31 = arith.constant 0 : index
    %get3A_32 = vector.load %arg1[%get3A_30, %get3A_31] : memref<3072x128xf32, #tpu.memory_space<vmem>>, vector<3072x32xf32>
    %get3A_33 = arith.constant 0 : index
    %get3A_34 = arith.constant 32 : index
    %get3A_35 = vector.load %arg1[%get3A_33, %get3A_34] : memref<3072x128xf32, #tpu.memory_space<vmem>>, vector<3072x9xf32>
    %get3A_36 = arith.constant 0 : index
    %get3A_37 = arith.constant 41 : index
    %get3A_38 = vector.load %arg1[%get3A_36, %get3A_37] : memref<3072x128xf32, #tpu.memory_space<vmem>>, vector<3072x3xf32>
    %get3A_39 = arith.constant 0 : index
    %get3A_40 = arith.constant 44 : index
    %get3A_41 = vector.load %arg1[%get3A_39, %get3A_40] : memref<3072x128xf32, #tpu.memory_space<vmem>>, vector<3072x1xf32>
    %get3A_42 = arith.constant 0 : index
    %get3A_43 = arith.constant 45 : index
    %get3A_44 = vector.load %arg1[%get3A_42, %get3A_43] : memref<3072x128xf32, #tpu.memory_space<vmem>>, vector<3072x1xf32>
    %mul3A = arith.constant 3072 : i32
    %mul3A_45 = arith.muli %arg0, %mul3A : i32
    %iota3A = tpu.iota {dimensions = array<i32: 0>} : vector<3072x1xi32>
    %add3A = vector.broadcast %mul3A_45 : i32 to vector<3072x1xi32>
    %add3A_46 = arith.addi %add3A, %iota3A : vector<3072x1xi32>
    %jit3A = arith.constant 24 : i32
    %div3A = vector.broadcast %jit3A : i32 to vector<3072x1xi32>
    %div3A_47 = arith.divsi %add3A_46, %div3A : vector<3072x1xi32>
    %sign3A = arith.constant 0 : i32
    %sign3A_48 = vector.broadcast %sign3A : i32 to vector<3072x1xi32>
    %sign3A_49 = arith.cmpi sgt, %add3A_46, %sign3A_48 : vector<3072x1xi32>
    %sign3A_50 = arith.extui %sign3A_49 : vector<3072x1xi1> to vector<3072x1xi32>
    %sign3A_51 = arith.constant 0 : i32
    %sign3A_52 = vector.broadcast %sign3A_51 : i32 to vector<3072x1xi32>
    %sign3A_53 = arith.cmpi slt, %add3A_46, %sign3A_52 : vector<3072x1xi32>
    %sign3A_54 = arith.extui %sign3A_53 : vector<3072x1xi1> to vector<3072x1xi32>
    %sign3A_55 = arith.subi %sign3A_50, %sign3A_54 : vector<3072x1xi32>
    %sign3A_56 = arith.constant 0 : i32
    %sign3A_57 = arith.cmpi sgt, %jit3A, %sign3A_56 : i32
    %sign3A_58 = arith.extui %sign3A_57 : i1 to i32
    %sign3A_59 = arith.constant 0 : i32
    %sign3A_60 = arith.cmpi slt, %jit3A, %sign3A_59 : i32
    %sign3A_61 = arith.extui %sign3A_60 : i1 to i32
    %sign3A_62 = arith.subi %sign3A_58, %sign3A_61 : i32
    %ne3A = vector.broadcast %sign3A_62 : i32 to vector<3072x1xi32>
    %ne3A_63 = arith.cmpi ne, %sign3A_55, %ne3A : vector<3072x1xi32>
    %rem3A = vector.broadcast %jit3A : i32 to vector<3072x1xi32>
    %rem3A_64 = arith.remsi %add3A_46, %rem3A : vector<3072x1xi32>
    %ne3A_65 = arith.constant 0 : i32
    %ne3A_66 = vector.broadcast %ne3A_65 : i32 to vector<3072x1xi32>
    %ne3A_67 = arith.cmpi ne, %rem3A_64, %ne3A_66 : vector<3072x1xi32>
    %and3A = arith.andi %ne3A_63, %ne3A_67 : vector<3072x1xi1>
    %sub3A = arith.constant 1 : i32
    %sub3A_68 = vector.broadcast %sub3A : i32 to vector<3072x1xi32>
    %sub3A_69 = arith.subi %div3A_47, %sub3A_68 : vector<3072x1xi32>
    %select_n3A = arith.select %and3A, %sub3A_69, %div3A_47 : vector<3072x1xi1>, vector<3072x1xi32>
    %jit3A_70 = arith.constant 27 : i32
    %div3A_71 = vector.broadcast %jit3A_70 : i32 to vector<3072x1xi32>
    %div3A_72 = arith.divsi %select_n3A, %div3A_71 : vector<3072x1xi32>
    %sign3A_73 = arith.constant 0 : i32
    %sign3A_74 = vector.broadcast %sign3A_73 : i32 to vector<3072x1xi32>
    %sign3A_75 = arith.cmpi sgt, %select_n3A, %sign3A_74 : vector<3072x1xi32>
    %sign3A_76 = arith.extui %sign3A_75 : vector<3072x1xi1> to vector<3072x1xi32>
    %sign3A_77 = arith.constant 0 : i32
    %sign3A_78 = vector.broadcast %sign3A_77 : i32 to vector<3072x1xi32>
    %sign3A_79 = arith.cmpi slt, %select_n3A, %sign3A_78 : vector<3072x1xi32>
    %sign3A_80 = arith.extui %sign3A_79 : vector<3072x1xi1> to vector<3072x1xi32>
    %sign3A_81 = arith.subi %sign3A_76, %sign3A_80 : vector<3072x1xi32>
    %sign3A_82 = arith.constant 0 : i32
    %sign3A_83 = arith.cmpi sgt, %jit3A_70, %sign3A_82 : i32
    %sign3A_84 = arith.extui %sign3A_83 : i1 to i32
    %sign3A_85 = arith.constant 0 : i32
    %sign3A_86 = arith.cmpi slt, %jit3A_70, %sign3A_85 : i32
    %sign3A_87 = arith.extui %sign3A_86 : i1 to i32
    %sign3A_88 = arith.subi %sign3A_84, %sign3A_87 : i32
    %ne3A_89 = vector.broadcast %sign3A_88 : i32 to vector<3072x1xi32>
    %ne3A_90 = arith.cmpi ne, %sign3A_81, %ne3A_89 : vector<3072x1xi32>
    %rem3A_91 = vector.broadcast %jit3A_70 : i32 to vector<3072x1xi32>
    %rem3A_92 = arith.remsi %select_n3A, %rem3A_91 : vector<3072x1xi32>
    %ne3A_93 = arith.constant 0 : i32
    %ne3A_94 = vector.broadcast %ne3A_93 : i32 to vector<3072x1xi32>
    %ne3A_95 = arith.cmpi ne, %rem3A_92, %ne3A_94 : vector<3072x1xi32>
    %and3A_96 = arith.andi %ne3A_90, %ne3A_95 : vector<3072x1xi1>
    %sub3A_97 = arith.constant 1 : i32
    %sub3A_98 = vector.broadcast %sub3A_97 : i32 to vector<3072x1xi32>
    %sub3A_99 = arith.subi %div3A_72, %sub3A_98 : vector<3072x1xi32>
    %select_n3A_100 = arith.select %and3A_96, %sub3A_99, %div3A_72 : vector<3072x1xi1>, vector<3072x1xi32>
    %convert_element_type3A_101 = arith.sitofp %select_n3A_100 : vector<3072x1xi32> to vector<3072x1xf32>
    %eq3A_102 = arith.cmpf oeq, %get3A_44, %convert_element_type3A_101 : vector<3072x1xf32>
    %sub3A_103 = arith.subf %get3A_38, %slice3A_28 : vector<3072x3xf32>
    %mul3A_104 = arith.mulf %sub3A_103, %sub3A_103 : vector<3072x3xf32>
    %reduce_sum3A = arith.constant dense<0.000000e+00> : vector<3072xf32>
    %reduce_sum3A_105 = vector.multi_reduction <add>, %mul3A_104, %reduce_sum3A [1] : vector<3072x3xf32> to vector<3072xf32>
    %broadcast_in_dim3A = vector.shape_cast %reduce_sum3A_105 : vector<3072xf32> to vector<3072x1xf32>
    %add3A_106 = arith.constant 9.99999974E-6 : f32
    %add3A_107 = vector.broadcast %add3A_106 : f32 to vector<3072x1xf32>
    %add3A_108 = arith.addf %broadcast_in_dim3A, %add3A_107 : vector<3072x1xf32>
    %sqrt3A = math.sqrt %add3A_108 : vector<3072x1xf32>
    %div3A_109 = vector.broadcast %sqrt3A : vector<3072x1xf32> to vector<3072x3xf32>
    %div3A_110 = arith.divf %sub3A_103, %div3A_109 : vector<3072x3xf32>
    %iota3A_111 = tpu.iota {dimensions = array<i32: 1>} : vector<3072x27xi32>
    %convert_element_type3A_112 = arith.fptosi %get3A_41 : vector<3072x1xf32> to vector<3072x1xi32>
    %eq3A_113 = vector.broadcast %convert_element_type3A_112 : vector<3072x1xi32> to vector<3072x27xi32>
    %eq3A_114 = arith.cmpi eq, %iota3A_111, %eq3A_113 : vector<3072x27xi32>
    %convert_element_type3A_115 = arith.extui %eq3A_114 : vector<3072x27xi1> to vector<3072x27xi32>
    %convert_element_type3A_116 = arith.sitofp %convert_element_type3A_115 : vector<3072x27xi32> to vector<3072x27xf32>
    %mul3A_117 = arith.mulf %slice3A_29, %convert_element_type3A_116 : vector<3072x27xf32>
    %reduce_sum3A_118 = arith.constant dense<0.000000e+00> : vector<3072xf32>
    %reduce_sum3A_119 = vector.multi_reduction <add>, %mul3A_117, %reduce_sum3A_118 [1] : vector<3072x27xf32> to vector<3072xf32>
    %broadcast_in_dim3A_120 = vector.shape_cast %reduce_sum3A_119 : vector<3072xf32> to vector<3072x1xf32>
    %jit3A_121 = arith.constant 0.000000e+00 : f32
    %broadcast_in_dim3A_122 = vector.broadcast %jit3A_121 : f32 to vector<3072x1xf32>
    %select_n3A_123 = arith.select %eq3A_102, %broadcast_in_dim3A_120, %broadcast_in_dim3A_122 : vector<3072x1xi1>, vector<3072x1xf32>
    %convert_element_type3A_124 = arith.fptosi %select_n3A_123 : vector<3072x1xf32> to vector<3072x1xi32>
    %iota3A_125 = tpu.iota {dimensions = array<i32: 1>} : vector<3072x5xi32>
    %eq3A_126 = vector.broadcast %convert_element_type3A_124 : vector<3072x1xi32> to vector<3072x5xi32>
    %eq3A_127 = arith.cmpi eq, %iota3A_125, %eq3A_126 : vector<3072x5xi32>
    %convert_element_type3A_128 = arith.extui %eq3A_127 : vector<3072x5xi1> to vector<3072x5xi32>
    %convert_element_type3A_129 = arith.sitofp %convert_element_type3A_128 : vector<3072x5xi32> to vector<3072x5xf32>
    %get3A_130 = arith.constant 0 : index
    %get3A_131 = arith.constant 0 : index
    %get3A_132 = vector.load %arg6[%get3A_130, %get3A_131] : memref<6x32xf32, #tpu.memory_space<vmem>>, vector<5x32xf32>
    %dot_general3A_133 = arith.constant dense<0.000000e+00> : vector<3072x32xf32>
    %dot_general3A_134 = tpu.matmul %convert_element_type3A_129, %get3A_132, %dot_general3A_133 {dimension_numbers = #tpu.dot_dimension_numbers<[1], [0], [0], [1], [0, 0, 1, 1], [], []>, transpose_lhs_hint = false} : vector<3072x5xf32>, vector<5x32xf32>, vector<3072x32xf32> -> vector<3072x32xf32>
    %get3A_135 = arith.constant 5 : index
    %get3A_136 = arith.constant 0 : index
    %get3A_137 = vector.load %arg6[%get3A_135, %get3A_136] : memref<6x32xf32, #tpu.memory_space<vmem>>, vector<1x32xf32>
    %mul3A_138 = vector.broadcast %sqrt3A : vector<3072x1xf32> to vector<3072x32xf32>
    %mul3A_139 = vector.broadcast %get3A_137 : vector<1x32xf32> to vector<3072x32xf32>
    %mul3A_140 = arith.mulf %mul3A_138, %mul3A_139 : vector<3072x32xf32>
    %add3A_141 = arith.addf %dot_general3A_134, %mul3A_140 : vector<3072x32xf32>
    %max3A = arith.constant 0.000000e+00 : f32
    %max3A_142 = vector.broadcast %max3A : f32 to vector<3072x32xf32>
    %max3A_143 = arith.maximumf %add3A_141, %max3A_142 : vector<3072x32xf32>
    %add3A_144 = arith.addf %get3A_32, %slice3A : vector<3072x32xf32>
    %dot_general3A_145 = arith.constant dense<0.000000e+00> : vector<3072x32xf32>
    %dot_general3A_146 = tpu.matmul %max3A_143, %get3A_15, %dot_general3A_145 {dimension_numbers = #tpu.dot_dimension_numbers<[1], [0], [0], [1], [0, 0, 1, 1], [], []>, transpose_lhs_hint = false} : vector<3072x32xf32>, vector<32x32xf32>, vector<3072x32xf32> -> vector<3072x32xf32>
    %add3A_147 = arith.addf %add3A_144, %dot_general3A_146 : vector<3072x32xf32>
    %mul3A_148 = vector.broadcast %sqrt3A : vector<3072x1xf32> to vector<3072x32xf32>
    %mul3A_149 = vector.broadcast %get3A_18 : vector<1x32xf32> to vector<3072x32xf32>
    %mul3A_150 = arith.mulf %mul3A_148, %mul3A_149 : vector<3072x32xf32>
    %add3A_151 = arith.addf %add3A_147, %mul3A_150 : vector<3072x32xf32>
    %max3A_152 = arith.constant 0.000000e+00 : f32
    %max3A_153 = vector.broadcast %max3A_152 : f32 to vector<3072x32xf32>
    %max3A_154 = arith.maximumf %add3A_151, %max3A_153 : vector<3072x32xf32>
    %get3A_155 = arith.constant 0 : index
    %get3A_156 = arith.constant 0 : index
    %get3A_157 = vector.load %arg7[%get3A_155, %get3A_156] : memref<32x4xf32, #tpu.memory_space<vmem>>, vector<32x4xf32>
    %dot_general3A_158 = arith.constant dense<0.000000e+00> : vector<3072x4xf32>
    %dot_general3A_159 = tpu.matmul %max3A_154, %get3A_157, %dot_general3A_158 {dimension_numbers = #tpu.dot_dimension_numbers<[1], [0], [0], [1], [0, 0, 1, 1], [], []>, transpose_lhs_hint = false} : vector<3072x32xf32>, vector<32x4xf32>, vector<3072x4xf32> -> vector<3072x4xf32>
    %slice3A_160 = vector.extract_strided_slice %dot_general3A_159 {offsets = [0, 0], sizes = [3072, 1], strides = [1, 1]} : vector<3072x4xf32> to vector<3072x1xf32>
    %mul3A_161 = vector.broadcast %slice3A_160 : vector<3072x1xf32> to vector<3072x3xf32>
    %mul3A_162 = arith.mulf %mul3A_161, %div3A_110 : vector<3072x3xf32>
    %slice3A_163 = vector.extract_strided_slice %dot_general3A_159 {offsets = [0, 1], sizes = [3072, 1], strides = [1, 1]} : vector<3072x4xf32> to vector<3072x1xf32>
    %slice3A_164 = vector.extract_strided_slice %get3A_35 {offsets = [0, 0], sizes = [3072, 3], strides = [1, 1]} : vector<3072x9xf32> to vector<3072x3xf32>
    %mul3A_165 = vector.broadcast %slice3A_163 : vector<3072x1xf32> to vector<3072x3xf32>
    %mul3A_166 = arith.mulf %mul3A_165, %slice3A_164 : vector<3072x3xf32>
    %add3A_167 = arith.addf %mul3A_162, %mul3A_166 : vector<3072x3xf32>
    %slice3A_168 = vector.extract_strided_slice %dot_general3A_159 {offsets = [0, 2], sizes = [3072, 1], strides = [1, 1]} : vector<3072x4xf32> to vector<3072x1xf32>
    %slice3A_169 = vector.extract_strided_slice %get3A_35 {offsets = [0, 3], sizes = [3072, 3], strides = [1, 1]} : vector<3072x9xf32> to vector<3072x3xf32>
    %mul3A_170 = vector.broadcast %slice3A_168 : vector<3072x1xf32> to vector<3072x3xf32>
    %mul3A_171 = arith.mulf %mul3A_170, %slice3A_169 : vector<3072x3xf32>
    %add3A_172 = arith.addf %add3A_167, %mul3A_171 : vector<3072x3xf32>
    %slice3A_173 = vector.extract_strided_slice %dot_general3A_159 {offsets = [0, 3], sizes = [3072, 1], strides = [1, 1]} : vector<3072x4xf32> to vector<3072x1xf32>
    %slice3A_174 = vector.extract_strided_slice %get3A_35 {offsets = [0, 6], sizes = [3072, 3], strides = [1, 1]} : vector<3072x9xf32> to vector<3072x3xf32>
    %mul3A_175 = vector.broadcast %slice3A_173 : vector<3072x1xf32> to vector<3072x3xf32>
    %mul3A_176 = arith.mulf %mul3A_175, %slice3A_174 : vector<3072x3xf32>
    %add3A_177 = arith.addf %add3A_172, %mul3A_176 : vector<3072x3xf32>
    %concatenate3A_178 = tpu.concatenate %max3A_154, %add3A_177 in 1 : vector<3072x32xf32>, vector<3072x3xf32> -> vector<3072x35xf32>
    %dot_general3A_179 = arith.constant dense<0.000000e+00> : vector<128x35xf32>
    %dot_general3A_180 = tpu.matmul %get3A_3, %concatenate3A_178, %dot_general3A_179 {dimension_numbers = #tpu.dot_dimension_numbers<[1], [0], [0], [1], [0, 0, 1, 1], [], []>, transpose_lhs_hint = false} : vector<128x3072xf32>, vector<3072x35xf32>, vector<128x35xf32> -> vector<128x35xf32>
    %slice3A_181 = vector.extract_strided_slice %dot_general3A_180 {offsets = [0, 0], sizes = [128, 32], strides = [1, 1]} : vector<128x35xf32> to vector<128x32xf32>
    %get3A_182 = arith.constant 0 : index
    %get3A_183 = arith.constant 0 : index
    %get3A_184 = vector.load %arg8[%get3A_182, %get3A_183] : memref<32x32xf32, #tpu.memory_space<vmem>>, vector<32x32xf32>
    %dot_general3A_185 = arith.constant dense<0.000000e+00> : vector<128x32xf32>
    %dot_general3A_186 = tpu.matmul %slice3A_181, %get3A_184, %dot_general3A_185 {dimension_numbers = #tpu.dot_dimension_numbers<[1], [0], [0], [1], [0, 0, 1, 1], [], []>, transpose_lhs_hint = false} : vector<128x32xf32>, vector<32x32xf32>, vector<128x32xf32> -> vector<128x32xf32>
    %swap3A = arith.constant 0 : index
    %swap3A_187 = arith.constant 0 : index
    %swap3A_188 = vector.load %arg9[%swap3A, %swap3A_187] : memref<128x32xf32, #tpu.memory_space<vmem>>, vector<128x32xf32>
    tpu.vector_store %arg9[%swap3A, %swap3A_187], %dot_general3A_186 {strides = array<i32>} : memref<128x32xf32, #tpu.memory_space<vmem>>, vector<128x32xf32>,
    %slice3A_189 = vector.extract_strided_slice %dot_general3A_180 {offsets = [0, 32], sizes = [128, 3], strides = [1, 1]} : vector<128x35xf32> to vector<128x3xf32>
    %div3A_190 = arith.constant 1.000000e+02 : f32
    %div3A_191 = vector.broadcast %div3A_190 : f32 to vector<128x3xf32>
    %div3A_192 = arith.divf %slice3A_189, %div3A_191 : vector<128x3xf32>
    %add3A_193 = arith.addf %get3A_9, %div3A_192 : vector<128x3xf32>
    %swap3A_194 = arith.constant 0 : index
    %swap3A_195 = arith.constant 0 : index
    %swap3A_196 = vector.load %arg10[%swap3A_194, %swap3A_195] : memref<128x3xf32, #tpu.memory_space<vmem>>, vector<128x3xf32>
    tpu.vector_store %arg10[%swap3A_194, %swap3A_195], %add3A_193 {strides = array<i32>} : memref<128x3xf32, #tpu.memory_space<vmem>>, vector<128x3xf32>,
    return
  }
  func.func @transform_0(%arg0: i32) -> (i32, i32) {
    %c0_i32 = arith.constant 0 : i32
    %c0_i32_0 = arith.constant 0 : i32
    return %arg0, %c0_i32 : i32, i32
  }
  func.func @transform_1(%arg0: i32) -> (i32, i32) {
    %c0_i32 = arith.constant 0 : i32
    %c0_i32_0 = arith.constant 0 : i32
    return %arg0, %c0_i32 : i32, i32
  }
  func.func @transform_2(%arg0: i32) -> (i32, i32) {
    %c0_i32 = arith.constant 0 : i32
    %c0_i32_0 = arith.constant 0 : i32
    return %arg0, %c0_i32 : i32, i32
  }
  func.func @transform_3(%arg0: i32) -> (i32, i32) {
    %c0_i32 = arith.constant 0 : i32
    %c0_i32_0 = arith.constant 0 : i32
    return %arg0, %c0_i32 : i32, i32
  }
  func.func @transform_4(%arg0: i32) -> (i32, i32) {
    %c0_i32 = arith.constant 0 : i32
    %c0_i32_0 = arith.constant 0 : i32
    %c0_i32_1 = arith.constant 0 : i32
    return %c0_i32, %c0_i32_0 : i32, i32
  }
  func.func @transform_5(%arg0: i32) -> (i32, i32) {
    %c0_i32 = arith.constant 0 : i32
    %c0_i32_0 = arith.constant 0 : i32
    %c0_i32_1 = arith.constant 0 : i32
    return %c0_i32, %c0_i32_0 : i32, i32
  }
  func.func @transform_6(%arg0: i32) -> (i32, i32) {
    %c0_i32 = arith.constant 0 : i32
    %c0_i32_0 = arith.constant 0 : i32
    %c0_i32_1 = arith.constant 0 : i32
    return %c0_i32, %c0_i32_0 : i32, i32
  }
  func.func @transform_7(%arg0: i32) -> (i32, i32) {
    %c0_i32 = arith.constant 0 : i32
    %c0_i32_0 = arith.constant 0 : i32
    %c0_i32_1 = arith.constant 0 : i32
    return %c0_i32, %c0_i32_0 : i32, i32
  }
  func.func @transform_8(%arg0: i32) -> (i32, i32) {
    %c0_i32 = arith.constant 0 : i32
    %c0_i32_0 = arith.constant 0 : i32
    return %arg0, %c0_i32 : i32, i32
  }
  func.func @transform_9(%arg0: i32) -> (i32, i32) {
    %c0_i32 = arith.constant 0 : i32
    %c0_i32_0 = arith.constant 0 : i32
    return %arg0, %c0_i32 : i32, i32
  }
}

</mosaic_0001>

<sc_bundles>
// kernel: kernel.5.cloned.1.call-start
scs
__scs_entry_jumppad:
0x0: {  	(pc) =	sbr.rel $0x88, $3  }
0x1: {  	(tag) =	ssettag $0x0;
	lr =	simm.s32 $0x1  }
0x2: {  	[smem:$0x3F98] =	sst lr;
	_ =	strace $0xD0000000  }
0x3: {  	_ = 	snop  }
0x4: {  	_ = 	snop  }
0x5: {  	_ = 	snop  }
0x6: {  	_ = 	snop  }
0x7: {  	_ = 	snop  }
__scs_overlays_trampoline_lowered:
0x8: {  	[smem:$0x3FA7] =	sst s0  }
0x9: {  	[smem:$0x3FA8] =	sst s1  }
0xa: {  	[smem:$0x3FA9] =	sst s2  }
0xb: {  	[smem:$0x3FAA] =	sst s3  }
0xc: {  	[smem:$0x3FAB] =	sst s4  }
0xd: {  	[smem:$0x3FAC] =	sst s5  }
0xe: {  	[smem:$0x3FAD] =	sst s6  }
0xf: {  	[smem:$0x3FAE] =	sst s7  }
0x10: {  	[smem:$0x3FAF] =	sst s8  }
0x11: {  	[smem:$0x3FB0] =	sst s9;
	s0 =	simm.s32 @!p0 $0x0  }
0x12: {  	s1 =	sld [smem:$0x3F96];
	s0 =	simm.s32 @p0 $0x1  }
0x13: {  	[smem:$0x3FB1] =	sst s0;
	s0 =	simm.s32 @!p1 $0x0  }
0x14: {  	s2 =	sld [smem:$0x3F95];
	s0 =	simm.s32 @p1 $0x1  }
0x15: {  	[smem:$0x3FB2] =	sst s0;
	s0 =	simm.s32 @!p2 $0x0  }
0x16: {  	s3 =	sld [smem:$0x3FDB];
	s0 =	simm.s32 @p2 $0x1  }
0x17: {  	s4 =	simm.s32 $0x1BF5;
	[smem:$0x3FB4] =	sst s0  }
0x18: {  	s0 =	sld [smem:$0x3F97];
	_ =	swait.ge [sflag:s4], $0x0  }
0x19: {  	s7 =	sld [smem:$0x3F98]  }
0x1a: {  	s8 =	sadd.s32 $0xFFFFE003, lr  }
0x1b: {  	s9 =	sadd.s32 $0xFFFFFEF7, lr;
	s5 =	simm.s32 $0xFFFFFFFF;
	p2 =	slt.u32 s8, $0xFFFFF086  }
0x1c: {  	p1 =	slt.u32 s9, $0xF7A;
	s5 =	simm.s32 @!p2 $0x0  }
0x1d: {  	s5 =	simm.s32 @p1 $0x1;
	p0 =	seq.s32 s7, s2  }
0x1e: {  	s7 =	smul.u32 @!p0 $0xF7A, s2;
	p2 =	seq.s32 @!p0 s5, $0x0  }
0x1f: {  	s9 =	smul.u32 $0xF7A, s1;
	s8 =	simm.s32 @!p0 $0x1BF5;
	p2 =	por !p2, p0  }
0x20: {  	[sflag:s8] =	ssyncset.s32 @!p0 $0xFFFFF086;
	s6 =	sadd.s32 @!p0 s3, s7;
	s7 =	simm.s32 @!p0 $0x108  }
0x21: {  	s3 =	sadd.s32 s3, s9;
	s6 =	sadd.s32 @!p0 $0x88, s6;
	s7 =	simm.s32 @p2 $0x1082  }
0x22: {  	[simem:s7], [sflag:s8] =	dma.local @!p0 [hbm:s6], $0xF7A  }
0x23: {  	s9 =	sor.u32 $0xD0000000, s2;
	s6 =	simm.s32 $0x108;
	_ =	swait.ge @!p0 [sflag:s8], $0x0  }
0x24: {  	s3 =	sadd.s32 $0x88, s3;
	s6 =	simm.s32 @!p1 $0x1082;
	[sflag:s4] =	ssyncset.s32 $0xFFFFF086  }
0x25: {  	[simem:s6], [sflag:s4] =	dma.local [hbm:s3], $0xF7A  }
0x26: {  	[smem:$0x3F98] =	sst s1;
	(tag) =	ssettag s2;
	_ =	strace s9  }
0x27: {  	s1 =	sld [smem:$0x3FA8]  }
0x28: {  	s2 =	sld [smem:$0x3FA9]  }
0x29: {  	s4 =	sld [smem:$0x3FAB]  }
0x2a: {  	p0 =	seq.s32 s5, $0x0;
	s5 =	sld [smem:$0x3FAC]  }
0x2b: {  	s6 =	sld [smem:$0x3FAD]  }
0x2c: {  	s7 =	sld [smem:$0x3FAE]  }
0x2d: {  	s3 =	simm.s32 $0x108;
	s8 =	sld [smem:$0x3FAF]  }
0x2e: {  	s3 =	simm.s32 @!p0 $0x1082;
	s9 =	sld [smem:$0x3FB0]  }
0x2f: {  	lr =	sadd.s32 s0, s3;
	s0 =	sld [smem:$0x3FA7]  }
0x30: {  	s3 =	sld [smem:$0x3FAA]  }
0x31: {  	[smem:$0x3FB3] =	sst s10  }
0x32: {  	s10 =	sld [smem:$0x3FB1];
	_ =	sdelay $0x3  }
0x33: {  	p0 =	seq.s32 s10, $0x1;
	s10 =	sld [smem:$0x3FB3];
	_ =	sdelay $0x3  }
0x34: {  	[smem:$0x3FB3] =	sst s10  }
0x35: {  	s10 =	sld [smem:$0x3FB2];
	_ =	sdelay $0x3  }
0x36: {  	p1 =	seq.s32 s10, $0x1;
	s10 =	sld [smem:$0x3FB3];
	_ =	sdelay $0x3  }
0x37: {  	[smem:$0x3FB3] =	sst s10  }
0x38: {  	s10 =	sld [smem:$0x3FB4]  }
0x39: {  	_ = 	snop;
	(pc) =	sbr.ind lr, $3  }
0x3a: {  	_ = 	snop  }
0x3b: {  	_ = 	snop  }
0x3c: {  	p2 =	seq.s32 s10, $0x1;
	s10 =	sld [smem:$0x3FB3]  }
0x3d: {  	_ =	shalt  }
0x3e: {  	_ =	shalt  }
0x3f: {  	_ =	shalt  }
0x40: {  	_ =	shalt  }
0x41: {  	_ =	shalt  }
0x42: {  	_ =	shalt  }
0x43: {  	_ =	shalt  }
0x44: {  	_ =	shalt  }
0x45: {  	_ =	shalt  }
0x46: {  	_ =	shalt  }
0x47: {  	_ =	shalt  }
0x48: {  	_ =	shalt  }
0x49: {  	_ =	shalt  }
0x4a: {  	_ =	shalt  }
0x4b: {  	_ =	shalt  }
0x4c: {  	_ =	shalt  }
0x4d: {  	_ =	shalt  }
0x4e: {  	_ =	shalt  }
0x4f: {  	_ =	shalt  }
0x50: {  	_ =	shalt  }
0x51: {  	_ =	shalt  }
0x52: {  	_ =	shalt  }
0x53: {  	_ =	shalt  }
0x54: {  	_ =	shalt  }
0x55: {  	_ =	shalt  }
0x56: {  	_ =	shalt  }
0x57: {  	_ =	shalt  }
0x58: {  	_ =	shalt  }
0x59: {  	_ =	shalt  }
0x5a: {  	_ =	shalt  }
0x5b: {  	_ =	shalt  }
0x5c: {  	_ =	shalt  }
0x5d: {  	_ =	shalt  }
0x5e: {  	_ =	shalt  }
0x5f: {  	_ =	shalt  }
0x60: {  	_ =	shalt  }
0x61: {  	_ =	shalt  }
0x62: {  	_ =	shalt  }
0x63: {  	_ =	shalt  }
0x64: {  	_ =	shalt  }
0x65: {  	_ =	shalt  }
0x66: {  	_ =	shalt  }
0x67: {  	_ =	shalt  }
0x68: {  	_ =	shalt  }
0x69: {  	_ =	shalt  }
0x6a: {  	_ =	shalt  }
0x6b: {  	_ =	shalt  }
0x6c: {  	_ =	shalt  }
0x6d: {  	_ =	shalt  }
0x6e: {  	_ =	shalt  }
0x6f: {  	_ =	shalt  }
0x70: {  	_ =	shalt  }
0x71: {  	_ =	shalt  }
0x72: {  	_ =	shalt  }
0x73: {  	_ =	shalt  }
0x74: {  	_ =	shalt  }
0x75: {  	_ =	shalt  }
0x76: {  	_ =	shalt  }
0x77: {  	_ =	shalt  }
0x78: {  	_ =	shalt  }
0x79: {  	_ =	shalt  }
0x7a: {  	_ =	shalt  }
0x7b: {  	_ =	shalt  }
0x7c: {  	_ =	shalt  }
0x7d: {  	_ =	shalt  }
0x7e: {  	_ =	shalt  }
0x7f: {  	_ =	shalt  }
0x80: {  	_ =	shalt  }
0x81: {  	_ =	shalt  }
0x82: {  	_ =	shalt  }
0x83: {  	_ =	shalt  }
0x84: {  	_ =	shalt  }
0x85: {  	_ =	shalt  }
0x86: {  	_ =	shalt  }
0x87: {  	_ =	shalt  }
.Lfunc_end0:
.L_simem_size_0:
called_computation_lowered:
.L_overlay_start_0:
0x88: {  	s2 =	sld [smem:$0x3FD9]  }
0x89: {  	s3 =	sld [smem:$0x3FFE];
	_ =	sdelay $0x1  }
0x8a: {  	s1 =	srdreg.scid  }
0x8b: {  	s0 =	sand.u32 $0x1, s1  }
0x8c: {  	s14 =	sshll.u32 s0, $0xA;
	s2 =	sadd.s32 s3, s2  }
0x8d: {  	s2 =	sadd.s32 s2, s14  }
0x8e: {  	[smem:$0x3FBF] =	sst s2  }
0x8f: {  	_ = 	snop  }
0x90: {  	s2 =	sld [smem:$0x3FD0];
	_ =	sdelay $0x2  }
0x91: {  	s15 =	simm.s32 $0xA;
	s4 =	simm.s32 $0x10  }
0x92: {  	[smem:s4], [sflag:s15] =	dma.local [hbm:s2], $0x1  }
0x93: {  	_ =	swait.eq [sflag:s15], $0x1  }
0x94: {  	[sflag:s15] =	ssyncset.done $0x0  }
0x95: {  	[sflag:s15] =	ssyncadd.s32 $0xFFFFFFFF  }
0x96: {  	s16 =	sld [smem:$0x11];
	(tm) =	ssettm $0x1  }
0x97: {  	s17 =	sld [smem:$0x3FFB];
	_ =	sdelay $0x3  }
0x98: {  	_ =	strace s17  }
0x99: {  	s3 =	sld [smem:$0x3FFC];
	_ =	sdelay $0x3  }
0x9a: {  	_ =	strace s3  }
0x9b: {  	s3 =	sld [smem:$0x3FFD];
	_ =	sdelay $0x3  }
0x9c: {  	_ =	strace s3  }
0x9d: {  	_ =	strace $0x8FFFFFFF  }
0x9e: {  	s18 =	sld [smem:$0x3FDB];
	_ =	sdelay $0x1  }
0x9f: {  	s19 =	simm.s32 $_scs_section_size  }
0xa0: {  	s5 =	simm.s32 $_size__tile_overlayer_lowered;
	s6 =	simm.s32 $_tile_overlayer_lowered  }
0xa1: {  	s22 =	simm.s32 $0x1BFF;
	s21 =	sshll.u32 s6, $0x1;
	s3 =	sadd.s32 s19, s18  }
0xa2: {  	s7 =	simm.s32 $0x0;
	s20 =	sshll.u32 s5, $0x1;
	s5 =	sadd.s32 s21, s3  }
0xa3: {  	[timem:s7], [sflag:s22] =	dma.local [hbm:s5], s20  }
0xa4: {  	_ =	swait.ge [sflag:s22], s20  }
0xa5: {  	s4 =	ssub.s32 $0x0, s20;
	[sflag:s22] =	ssyncset.done $0x0  }
0xa6: {  	[sflag:s22] =	ssyncadd.s32 s4;
	_ =	sdelay $0x1  }
0xa7: {  	s23 =	simm.s32 $0x1B8B  }
0xa8: {  	_ =	swait.ge [sflag:s23], $0x1  }
0xa9: {  	[sflag:s23] =	ssyncset.done $0x0  }
0xaa: {  	s25 =	simm.s32 $0x1B8E;
	s24 =	sld [smem:$0x3FFE];
	[sflag:s23] =	ssyncadd.s32 $0xFFFFFFFF  }
0xab: {  	s26 =	simm.s32 $execute0_lowered;
	[smem:$0x3FD2] =	sst s25  }
0xac: {  	s5 =	sshll.u32 s26, $0x1;
	_ =	strace $0x80000046;
	[dreg:$0x1] =	wrdreg $0xFFFFFFFF  }
0xad: {  	s28 =	simm.s32 $_size_execute0_lowered;
	s3 =	sadd.s32 s3, s5;
	[dreg:$0x0] =	wrdreg $0x0  }
0xae: {  	s5 =	sshll.u32 s28, $0x1;
	[dreg:$0x2] =	wrdreg s3  }
0xaf: {  	[dreg:$0x3] =	wrdreg s5  }
0xb0: {  	[dreg:$0x4] =	wrdreg $0xC0  }
0xb1: {  	_ =	task [dreg:s7], $0x5FFFF  }
0xb2: {  	[dreg:$0x1] =	wrdreg $0xFFFFFFFF  }
0xb3: {  	[dreg:$0x0] =	wrdreg $0x60  }
0xb4: {  	[dreg:$0x2] =	wrdreg s16  }
0xb5: {  	[dreg:$0x3] =	wrdreg s24  }
0xb6: {  	[dreg:$0x4] =	wrdreg $0x9  }
0xb7: {  	_ =	task.clear_ibuf [dreg:s7], $0x5FFFF;
	_ =	strace $0x90000046  }
0xb8: {  	s29 =	simm.s32 $0x9;
	_ =	strace $0x80000048  }
0xb9: {  	_ =	swait.ge [sflag:s29], $0x1  }
0xba: {  	[sflag:s29] =	ssyncadd.s32 $0xFFFFFFFF  }
0xbb: {  	_ =	strace $0x90000048  }
0xbc: {  	_ =	sfence  }
0xbd: {  	s30 =	sld [smem:$0x0];
	_ =	sdelay $0x2  }
0xbe: {  	s31 =	sshll.u32 s1, $0xD;
	s1 =	sshrl.u32 s1, $0x2  }
0xbf: {  	s3 =	sand.u32 $0x4000, s31;
	s1 =	sadd.s32 s1, s30  }
0xc0: {  	s0 =	sor.u32 s3, s0;
	s1 =	sshll.u32 s1, $0x11  }
0xc1: {  	s0 =	sor.u32 s1, s0  }
0xc2: {  	s0 =	sadd.s32 $0x8F2B, s0  }
0xc3: {  	[sflag:s0] =	ssyncadd.remote.s32 $0x1  }
0xc4: {  	_ =	sfence.sel $0xFFFF  }
0xc5: {  	[dreg:$0x0] =	wrdreg $0xFFFFFFFF;
	(pc) =	sbr.abs _section_cstart, $3  }
0xc6: {  	[dreg:$0x1] =	wrdreg $0xFFFFFFFF  }
0xc7: {  	_ =	task.clear_ibuf [dreg:s7], $0x2FFFF;
	_ =	strace $0x9FFFFFFF  }
0xc8: {  	(tm) =	ssettm $0x7FFFFFFF  }
0xc9: {  	_ =	shalt  }
tec
execute0_lowered:
.L_overlay_start_1:
0x0: {  	(tag) =	ssettag $0x1  }
0x1: {  	s4 =	rddreg [dreg:$0x0]  }
0x2: {  	s5 =	rddreg [dreg:$0x1]  }
0x3: {  	s0 =	rddreg [dreg:$0x2]  }
0x4: {  	s3 =	srdreg.scid;
	s1 =	stileid.u32;
	s2 =	simm.s32 $0x0  }
0x5: {  	s11 =	simm.s32 $0x1480;
	s12 =	simm.s32 $0x4480;
	s13 =	simm.s32 $0x1  }
0x6: {  	s14 =	simm.s32 $0x2;
	s15 =	simm.s32 $0x13E0;
	s16 =	simm.s32 $0x0  }
0x7: {  	s6 =	sand.u32 $0x1, s3;
	s28 =	sshll.u32 s1, $0x1;
	[smem:$0x7FF] =	sst s2  }
0x8: {  	s3 =	sadd.s32 $0x1600, s5;
	s30 =	smul.u32 $0x28800, s1;
	s7 =	sor.u32 s6, s28  }
0x9: {  	s9 =	sadd.s32 $0x1C600, s5;
	s29 =	ssub.s32 $0x2, s6;
	s8 =	smul.u32 $0x1440, s7  }
0xa: {  	_ =	strace $0x80000047;
	s10 =	sshrl.u32 s29, $0x1;
	s7 =	smul.u32 $0x14400, s7  }
0xb: {  	s31 =	smul.u32 $0x14400, s6;
	s5 =	ssub.s32 s29, s10;
	s10 =	simm.s32 $0x60  }
0xc: {  	s8 =	sshrl.u32 s8, $0x3;
	s5 =	smax.u32 s5, $0x1;
	s7 =	sadd.s32 s9, s7  }
0xd: {  	s4 =	sadd.s32 s4, s8;
	s6 =	sadd.s32 $0x13800, s7;
	s8 =	sadd.s32 s30, s9  }
0xe: {  	s7 =	sadd.s32 $0x13E00, s7;
	s9 =	simm.s32 $0x3;
	s8 =	sadd.s32 s31, s8  }
.LBB2_1:
0xf: {  	[tilespmem:s2], [sflag:$0x3] =	stream.linear.gather [hbm4b:s4+s2], $0x1440, $0x38;
	[tilespmem:$0x7480] =	vst v63  }
0x10: {  	_ =	swait.ge [sflag:s9], $0x1440  }
0x11: {  	[sflag:s9] =	ssyncset.done $0x0  }
0x12: {  	[sflag:s9] =	ssyncadd.s32 $0xFFFFEBC0  }
0x13: {  	[tilespmem:s11], [sflag:$0x1] =	stream.indirect.gather [hbm4b:s3+s10], $0x80, s2, s10, $0xb8;
	[tilespmem:$0x7480] =	vst v63  }
0x14: {  	s17 =	simm.s32 $0x60  }
0x15: {  	[tilespmem:s12], [sflag:$0x2] =	stream.indirect.gather [hbm4b:s3+s10], $0x80, s17, s10, $0xb8;
	[tilespmem:$0x7480] =	vst v63  }
0x16: {  	_ =	swait.ge [sflag:s13], $0x3000  }
0x17: {  	[sflag:s13] =	ssyncset.done $0x0  }
0x18: {  	s31 =	sadd.s32 $0x0, s8;
	[sflag:s13] =	ssyncadd.s32 $0xFFFFD000  }
0x19: {  	[hbm4b:s31+s2] =	stream.linear.scatter [tilespmem:s11], [sflag:$0x3], $0x3000, $0x38;
	[tilespmem:$0x7480] =	vst v63  }
0x1a: {  	_ =	swait.ge [sflag:s9], $0x3000  }
0x1b: {  	[sflag:s9] =	ssyncset.done $0x0  }
0x1c: {  	s18 =	simm.s32 $0xC0;
	[sflag:s9] =	ssyncadd.s32 $0xFFFFD000  }
0x1d: {  	[tilespmem:s11], [sflag:$0x1] =	stream.indirect.gather [hbm4b:s3+s10], $0x80, s18, s10, $0xb8;
	[tilespmem:$0x7480] =	vst v63  }
0x1e: {  	_ =	swait.ge [sflag:s14], $0x3000  }
0x1f: {  	[sflag:s14] =	ssyncset.done $0x0  }
0x20: {  	s17 =	sadd.s32 $0x600, s31;
	[sflag:s14] =	ssyncadd.s32 $0xFFFFD000  }
0x21: {  	[hbm4b:s17+s2] =	stream.linear.scatter [tilespmem:s12], [sflag:$0x3], $0x3000, $0x38;
	[tilespmem:$0x7480] =	vst v63  }
0x22: {  	s19 =	simm.s32 $0x1800;
	_ =	swait.ge [sflag:s9], $0x3000  }
0x23: {  	s18 =	simm.s32 $0xC00;
	s17 =	simm.s32 $0x180;
	[sflag:s9] =	ssyncset.done $0x0  }
.LBB2_2:
0x24: {  	p0 =	sne.s32 s19, $0x12C00;
	s20 =	sadd.s32 $0xFFFFFFA0, s17;
	[sflag:s9] =	ssyncadd.s32 $0xFFFFD000  }
0x25: {  	[tilespmem:s12], [sflag:$0x2] =	stream.indirect.gather [hbm4b:s3+s10], $0x80, s20, s10, $0xb8;
	[tilespmem:$0x7480] =	vst v63  }
0x26: {  	s20 =	smov.u32 s19;
	s19 =	sadd.s32 $0xC00, s19;
	_ =	swait.ge [sflag:s13], $0x3000  }
0x27: {  	[sflag:s13] =	ssyncset.done $0x0  }
0x28: {  	s21 =	sadd.s32 s18, s8;
	s18 =	smov.u32 s20;
	[sflag:s13] =	ssyncadd.s32 $0xFFFFD000  }
0x29: {  	[hbm4b:s21+s2] =	stream.linear.scatter [tilespmem:s11], [sflag:$0x3], $0x3000, $0x38;
	[tilespmem:$0x7480] =	vst v63  }
0x2a: {  	_ =	swait.ge [sflag:s9], $0x3000  }
0x2b: {  	[sflag:s9] =	ssyncset.done $0x0  }
0x2c: {  	[sflag:s9] =	ssyncadd.s32 $0xFFFFD000  }
0x2d: {  	[tilespmem:s11], [sflag:$0x1] =	stream.indirect.gather [hbm4b:s3+s10], $0x80, s17, s10, $0xb8;
	[tilespmem:$0x7480] =	vst v63  }
0x2e: {  	_ =	swait.ge [sflag:s14], $0x3000  }
.Ltmp0:
0x2f: {  	[sflag:s14] =	ssyncset.done $0x0;
	(pc) =	sbr.rel @p0 .LBB2_2-.Ltmp0, $4  }
0x30: {  	s20 =	sadd.s32 $0x600, s21;
	[sflag:s14] =	ssyncadd.s32 $0xFFFFD000  }
0x31: {  	[hbm4b:s20+s2] =	stream.linear.scatter [tilespmem:s12], [sflag:$0x3], $0x3000, $0x38;
	[tilespmem:$0x7480] =	vst v63  }
0x32: {  	_ =	swait.ge [sflag:s9], $0x3000  }
0x33: {  	s17 =	sadd.s32 $0xC0, s17;
	[sflag:s9] =	ssyncset.done $0x0  }
0x34: {  	s19 =	sadd.s32 $0xFFFFFFA0, s17;
	[sflag:s9] =	ssyncadd.s32 $0xFFFFD000  }
0x35: {  	[tilespmem:s12], [sflag:$0x2] =	stream.indirect.gather [hbm4b:s3+s10], $0x80, s19, s10, $0xb8;
	[tilespmem:$0x7480] =	vst v63  }
0x36: {  	_ =	swait.ge [sflag:s13], $0x3000  }
0x37: {  	[sflag:s13] =	ssyncset.done $0x0  }
0x38: {  	s18 =	sadd.s32 s18, s8;
	[sflag:s13] =	ssyncadd.s32 $0xFFFFD000  }
0x39: {  	[hbm4b:s18+s2] =	stream.linear.scatter [tilespmem:s11], [sflag:$0x3], $0x3000, $0x38;
	[tilespmem:$0x7480] =	vst v63  }
0x3a: {  	_ =	swait.ge [sflag:s9], $0x3000  }
0x3b: {  	[sflag:s9] =	ssyncset.done $0x0  }
0x3c: {  	[sflag:s9] =	ssyncadd.s32 $0xFFFFD000  }
0x3d: {  	[tilespmem:s11], [sflag:$0x1] =	stream.indirect.gather [hbm4b:s3+s10], $0x80, s17, s10, $0xb8;
	[tilespmem:$0x7480] =	vst v63  }
0x3e: {  	_ =	swait.ge [sflag:s14], $0x3000  }
0x3f: {  	[sflag:s14] =	ssyncset.done $0x0  }
0x40: {  	s31 =	sadd.s32 $0x600, s18;
	[sflag:s14] =	ssyncadd.s32 $0xFFFFD000  }
0x41: {  	[hbm4b:s31+s2] =	stream.linear.scatter [tilespmem:s12], [sflag:$0x3], $0x3000, $0x38;
	[tilespmem:$0x7480] =	vst v63  }
0x42: {  	_ =	swait.ge [sflag:s9], $0x3000  }
0x43: {  	[sflag:s9] =	ssyncset.done $0x0  }
0x44: {  	[sflag:s9] =	ssyncadd.s32 $0xFFFFD000  }
0x45: {  	[tilespmem:s12], [sflag:$0x2] =	stream.indirect.gather [hbm4b:s3+s10], $0x80, s15, s10, $0xb8;
	[tilespmem:$0x7480] =	vst v63  }
0x46: {  	_ =	swait.ge [sflag:s13], $0x3000  }
0x47: {  	[sflag:s13] =	ssyncset.done $0x0  }
0x48: {  	[sflag:s13] =	ssyncadd.s32 $0xFFFFD000  }
0x49: {  	[hbm4b:s6+s2] =	stream.linear.scatter [tilespmem:s11], [sflag:$0x3], $0x3000, $0x38;
	[tilespmem:$0x7480] =	vst v63  }
0x4a: {  	_ =	swait.ge [sflag:s9], $0x3000  }
0x4b: {  	[sflag:s9] =	ssyncset.done $0x0  }
0x4c: {  	[sflag:s9] =	ssyncadd.s32 $0xFFFFD000  }
0x4d: {  	s16 =	sadd.s32 $0x1, s16;
	_ =	swait.ge [sflag:s14], $0x3000  }
0x4e: {  	p0 =	sne.s32 s16, s5;
	[sflag:s14] =	ssyncset.done $0x0  }
.Ltmp1:
0x4f: {  	[sflag:s14] =	ssyncadd.s32 $0xFFFFD000;
	(pc) =	sbr.rel @p0 .LBB2_1-.Ltmp1, $4  }
0x50: {  	[hbm4b:s7+s2] =	stream.linear.scatter [tilespmem:s12], [sflag:$0x3], $0x3000, $0x38;
	[tilespmem:$0x7480] =	vst v63  }
0x51: {  	_ =	swait.ge [sflag:s9], $0x3000  }
0x52: {  	[sflag:s9] =	ssyncset.done $0x0  }
0x53: {  	[sflag:s9] =	ssyncadd.s32 $0xFFFFD000  }
0x54: {  	_ =	sfence.sel $0x180000  }
0x55: {  	[bflag:$0x0] =	sbarrier.arrive $0xFFFF  }
0x56: {  	p0 =	sne.s32 s1, $0x0;
	_ =	strace $0x90000047  }
0x57: {  	s0 =	sadd.s32 @!p0 $0x100000, s0;
	[bflag:$0x2] =	sbarrier.arrive $0xFFFF  }
0x58: {  	[sflag:s0] =	ssyncadd.tile.s32 @!p0 $0x1;
	_ =	shalt  }
.Lfunc_end2:
_tile_overlayer_lowered:
.L_overlay_start_2:
0x59: {  	(tag) =	ssettag $0x2  }
0x5a: {  	s0 =	rddreg [dreg:$0x0];
	s2 =	stileid.u32  }
0x5b: {  	s1 =	rddreg [dreg:$0x1];
	p0 =	sne.s32 s2, $0x0  }
0x5c: {  	s3 =	rddreg [dreg:$0x2];
	[bflag:$0x3] =	sbarrier.arrive $0xFFFF;
	s2 =	simm.s32 @!p0 $0x1C03  }
0x5d: {  	[timem:s3], [sflag:s2] =	dma.local @!p0 [hbm:s0], s1  }
0x5e: {  	s0 =	simm.s32 @!p0 $0x3  }
0x5f: {  	_ =	swait.ge @!p0 [sflag:s0], s1  }
0x60: {  	s1 =	ssub.s32 @!p0 $0x0, s1;
	[sflag:s0] =	ssyncset.done @!p0 $0x0  }
0x61: {  	[sflag:s0] =	ssyncadd.s32 @!p0 s1  }
0x62: {  	[bflag:$0x3] =	sbarrier.arrive $0xFFFF  }
0x63: {  	_ =	shalt  }

</sc_bundles>
